<compile_context>
chip_gen: v7x
topology: tpu7x:2x2x1
jax: 0.10.2.dev20260603
libtpu: 0.0.44.dev20260713+nightly
codegen_flags: <defaults>
</compile_context>

<pallas_src>
import functools

import jax
import jax.numpy as jnp
from jax import lax
from jax.experimental import pallas as pl
from jax.experimental.pallas import tpu as pltpu
from jax.experimental.pallas import tpu_sc as plsc

_B, _S, _D = 4, 2048, 128
_N = _B * _S
_L = 16
_NC, _NS = 2, 16
_NW = _NC * _NS
_BPW = _N // _NW
_WPB = _S // _BPW
_CH = 64
_NCH = _BPW // _CH
_NBUF = 4
_OBUF = 2
_PCH = 64
_NPCH = _BPW // _PCH
_SROWS = _S // _NS

_mesh = plsc.VectorSubcoreMesh(core_axis_name="c", subcore_axis_name="s")


@functools.partial(
    pl.kernel,
    mesh=_mesh,
    out_type=jax.ShapeDtypeStruct((_B, _S, _D), jnp.float32),
    scratch_types=[
        pltpu.VMEM((_BPW,), jnp.int32),
        pltpu.VMEM((_BPW,), jnp.int32),
        pltpu.VMEM((_NBUF, _CH, _D), jnp.float32),
        pltpu.VMEM((_OBUF, _CH, _D), jnp.float32),
        pltpu.VMEM((_BPW, _D), jnp.float32),
        pltpu.VMEM_SHARED((_S, _D), jnp.float32),
        pltpu.SemaphoreType.DMA,
        pltpu.SemaphoreType.DMA,
        pltpu.SemaphoreType.DMA,
        pltpu.SemaphoreType.DMA,
        pltpu.SemaphoreType.DMA,
        pltpu.SemaphoreType.DMA,
        pltpu.SemaphoreType.DMA,
        pltpu.SemaphoreType.DMA,
        pltpu.SemaphoreType.DMA,
        pltpu.SemaphoreType.DMA,
        pltpu.SemaphoreType.DMA,
        pltpu.SemaphoreType.DMA,
        pltpu.SemaphoreType.DMA,
    ],
)
def _embed(vt_hbm, pt_hbm, ids_hbm, pids_hbm, out_hbm,
           idx_v, pidx_v, rows, obuf, prows, pos_sh,
           si0, si1, ss, sv0, sv1, sv2, sv3, sp0, sp1, sp2, sp3, so0, so1):
    sv = (sv0, sv1, sv2, sv3)
    sp = (sp0, sp1, sp2, sp3)
    so = (so0, so1)
    cid = lax.axis_index("c")
    sid = lax.axis_index("s")
    wid = sid * _NC + cid
    brow = wid // _WPB
    scol = (wid % _WPB) * _BPW

    cp_p = pltpu.async_copy(pids_hbm.at[brow, pl.ds(scol, _BPW)], pidx_v, si1)
    cp_i = pltpu.async_copy(ids_hbm.at[brow, pl.ds(scol, _BPW)], idx_v, si0)
    cp_s = pltpu.async_copy(
        pt_hbm.at[pl.ds(sid * _SROWS, _SROWS)],
        pos_sh.at[pl.ds(sid * _SROWS, _SROWS)], ss)

    cp_p.wait()
    pgathers = {0: pltpu.async_copy(
        pt_hbm.at[pidx_v.at[pl.ds(0, _PCH)]],
        prows.at[pl.ds(0, _PCH)], sp[0])}

    cp_i.wait()

    def start_vgather(c):
        b = c % _NBUF
        return pltpu.async_copy(
            vt_hbm.at[idx_v.at[pl.ds(c * _CH, _CH)]], rows.at[b], sv[b])

    vgathers = {c: start_vgather(c) for c in range(_NBUF)}

    cp_s.wait()
    plsc.subcore_barrier()
    pgathers[1] = pltpu.async_copy(
        pos_sh.at[pidx_v.at[pl.ds(_PCH, _BPW - _PCH)]],
        prows.at[pl.ds(_PCH, _BPW - _PCH)], sp[1])

    out_cps = {}
    for c in range(_NCH):
        b = c % _NBUF
        b2 = c % _OBUF
        vgathers[c].wait()
        if c in pgathers:
            pgathers[c].wait()
        if c >= _OBUF:
            out_cps[c - _OBUF].wait()

        @plsc.parallel_loop(0, _CH, unroll=2)
        def _add(i):
            for j in range(_D // _L):
                s = pl.ds(j * _L, _L)
                obuf[b2, i, s] = rows[b, i, s] + prows[c * _CH + i, s]

        out_cps[c] = pltpu.async_copy(
            obuf.at[b2], out_hbm.at[brow, pl.ds(scol + c * _CH, _CH)], so[b2])
        if c + _NBUF < _NCH:
            vgathers[c + _NBUF] = start_vgather(c + _NBUF)
    out_cps[_NCH - 2].wait()
    out_cps[_NCH - 1].wait()


def kernel(input_ids, position_ids, vocab_table, pos_table):
    return _embed(vocab_table, pos_table, input_ids, position_ids)

# --- scband reference (transcript-rebuilt; emitter-appended) ---
"""Pipeline reference for scband-gptembedding-6124623364453 (READ-ONLY COPY).

The authoritative reference and input builder live on the scoring server;
editing this copy changes nothing except your own understanding.
"""

import jax, jax.numpy as jnp
import numpy as np

VOCAB = 100000
DIM = 128
SEQ = 2048
BATCH = 4

def setup_inputs(seed: int = 0) -> dict:
    key = jax.random.key(seed)
    k1, k2, k3, k4 = jax.random.split(key, 4)
    input_ids = jax.random.randint(k1, (BATCH, SEQ), 0, VOCAB, dtype=jnp.int64 if jax.config.jax_enable_x64 else jnp.int32)
    position_ids = jax.random.randint(k2, (BATCH, SEQ), 0, SEQ, dtype=jnp.int64 if jax.config.jax_enable_x64 else jnp.int32)
    # xavier_normal for embedding weight [vocab, dim]: std = sqrt(2/(fan_in+fan_out))
    std_v = float(np.sqrt(2.0 / (VOCAB + DIM)))
    vocab_table = jax.random.normal(k3, (VOCAB, DIM), dtype=jnp.float32) * std_v
    # nn.Embedding default init: N(0, 1)
    pos_table = jax.random.normal(k4, (SEQ, DIM), dtype=jnp.float32)
    return {"input_ids": input_ids, "position_ids": position_ids, "vocab_table": vocab_table, "pos_table": pos_table}

def reference(input_ids, position_ids, vocab_table, pos_table):
    word_embeddings = jnp.take(vocab_table, input_ids, axis=0)
    pos_embeddings = jnp.take(pos_table, position_ids, axis=0)
    embeddings = word_embeddings + pos_embeddings
    return embeddings

if __name__ == "__main__":
    import jax
    _d = setup_inputs()
    print(jax.jit(kernel)(*tuple(_d.values())))

</pallas_src>

<mosaic_0001>
#map = affine_map<(d0, d1) -> (0, 0)>
#map1 = affine_map<(d0, d1) -> (0, 0, 0)>
module attributes {stable_mosaic.version = 14 : i64} {
  func.func @_embed(%arg0: i32, %arg1: i32, %arg2: memref<100000x128xf32, #tpu.memory_space<hbm>>, %arg3: memref<2048x128xf32, #tpu.memory_space<hbm>>, %arg4: memref<4x2048xi32, #tpu.memory_space<hbm>>, %arg5: memref<4x2048xi32, #tpu.memory_space<hbm>>, %arg6: memref<4x2048x128xf32, #tpu.memory_space<hbm>>, %arg7: memref<256xi32, #tpu.memory_space<vmem>>, %arg8: memref<256xi32, #tpu.memory_space<vmem>>, %arg9: memref<4x64x128xf32, #tpu.memory_space<vmem>>, %arg10: memref<2x64x128xf32, #tpu.memory_space<vmem>>, %arg11: memref<256x128xf32, #tpu.memory_space<vmem>>, %arg12: memref<2048x128xf32, #tpu.memory_space<vmem_shared>>, %arg13: memref<!tpu.dma_semaphore, #tpu.memory_space<semaphore_mem>>, %arg14: memref<!tpu.dma_semaphore, #tpu.memory_space<semaphore_mem>>, %arg15: memref<!tpu.dma_semaphore, #tpu.memory_space<semaphore_mem>>, %arg16: memref<!tpu.dma_semaphore, #tpu.memory_space<semaphore_mem>>, %arg17: memref<!tpu.dma_semaphore, #tpu.memory_space<semaphore_mem>>, %arg18: memref<!tpu.dma_semaphore, #tpu.memory_space<semaphore_mem>>, %arg19: memref<!tpu.dma_semaphore, #tpu.memory_space<semaphore_mem>>, %arg20: memref<!tpu.dma_semaphore, #tpu.memory_space<semaphore_mem>>, %arg21: memref<!tpu.dma_semaphore, #tpu.memory_space<semaphore_mem>>, %arg22: memref<!tpu.dma_semaphore, #tpu.memory_space<semaphore_mem>>, %arg23: memref<!tpu.dma_semaphore, #tpu.memory_space<semaphore_mem>>, %arg24: memref<!tpu.dma_semaphore, #tpu.memory_space<semaphore_mem>>, %arg25: memref<!tpu.dma_semaphore, #tpu.memory_space<semaphore_mem>>) attributes {dimension_semantics = [#tpu.dimension_semantics<core_parallel>, #tpu.dimension_semantics<subcore_parallel>], iteration_bounds = array<i64: 2, 16>, scalar_prefetch = 0 : i64, scratch_operands = 19 : i64, tpu.core_type = #tpu.core_type<sc_vector_subcore>, window_params = [{transform_indices = #map}, {transform_indices = #map}, {transform_indices = #map}, {transform_indices = #map}, {transform_indices = #map1}]} {
    %mul3A = arith.constant 2 : i32
    %mul3A_0 = arith.muli %arg1, %mul3A : i32
    %add3A = arith.addi %mul3A_0, %arg0 : i32
    %jit3A = arith.constant 8 : i32
    %div3A = arith.divsi %add3A, %jit3A : i32
    %sign3A = arith.constant 0 : i32
    %sign3A_1 = arith.cmpi sgt, %add3A, %sign3A : i32
    %sign3A_2 = arith.extui %sign3A_1 : i1 to i32
    %sign3A_3 = arith.constant 0 : i32
    %sign3A_4 = arith.cmpi slt, %add3A, %sign3A_3 : i32
    %sign3A_5 = arith.extui %sign3A_4 : i1 to i32
    %sign3A_6 = arith.subi %sign3A_2, %sign3A_5 : i32
    %sign3A_7 = arith.constant 0 : i32
    %sign3A_8 = arith.cmpi sgt, %jit3A, %sign3A_7 : i32
    %sign3A_9 = arith.extui %sign3A_8 : i1 to i32
    %sign3A_10 = arith.constant 0 : i32
    %sign3A_11 = arith.cmpi slt, %jit3A, %sign3A_10 : i32
    %sign3A_12 = arith.extui %sign3A_11 : i1 to i32
    %sign3A_13 = arith.subi %sign3A_9, %sign3A_12 : i32
    %ne3A = arith.cmpi ne, %sign3A_6, %sign3A_13 : i32
    %rem3A = arith.remsi %add3A, %jit3A : i32
    %ne3A_14 = arith.constant 0 : i32
    %ne3A_15 = arith.cmpi ne, %rem3A, %ne3A_14 : i32
    %and3A = arith.andi %ne3A, %ne3A_15 : i1
    %sub3A = arith.constant 1 : i32
    %sub3A_16 = arith.subi %div3A, %sub3A : i32
    %select_n3A = arith.select %and3A, %sub3A_16, %div3A : i32
    %jit3A_17 = arith.constant 8 : i32
    %eq3A = arith.constant 0 : i32
    %eq3A_18 = arith.cmpi eq, %jit3A_17, %eq3A : i32
    %jit3A_19 = arith.constant 1 : i32
    %select_n3A_20 = arith.select %eq3A_18, %jit3A_19, %jit3A_17 : i32
    %rem3A_21 = arith.remsi %add3A, %select_n3A_20 : i32
    %ne3A_22 = arith.constant 0 : i32
    %ne3A_23 = arith.cmpi ne, %rem3A_21, %ne3A_22 : i32
    %lt3A = arith.constant 0 : i32
    %lt3A_24 = arith.cmpi slt, %rem3A_21, %lt3A : i32
    %lt3A_25 = arith.constant 0 : i32
    %lt3A_26 = arith.cmpi slt, %select_n3A_20, %lt3A_25 : i32
    %ne3A_27 = arith.xori %lt3A_24, %lt3A_26 : i1
    %and3A_28 = arith.andi %ne3A_27, %ne3A_23 : i1
    %add3A_29 = arith.addi %rem3A_21, %select_n3A_20 : i32
    %select_n3A_30 = arith.select %and3A_28, %add3A_29, %rem3A_21 : i32
    %mul3A_31 = arith.constant 256 : i32
    %mul3A_32 = arith.muli %select_n3A_30, %mul3A_31 : i32
    %dma_start3A = tpu.memref_slice %arg5[%select_n3A, %mul3A_32] : memref<4x2048xi32, #tpu.memory_space<hbm>> -> memref<1x256xi32, #tpu.memory_space<hbm>>
    %dma_start3A_33 = tpu.memref_squeeze %dma_start3A : memref<1x256xi32, #tpu.memory_space<hbm>> -> memref<256xi32, #tpu.memory_space<hbm>>
    %dma_start3A_34 = tpu.memref_slice %arg5[%select_n3A, %mul3A_32] : memref<4x2048xi32, #tpu.memory_space<hbm>> -> memref<1x256xi32, #tpu.memory_space<hbm>>
    %dma_start3A_35 = tpu.memref_squeeze %dma_start3A_34 : memref<1x256xi32, #tpu.memory_space<hbm>> -> memref<256xi32, #tpu.memory_space<hbm>>
    tpu.enqueue_dma source(%dma_start3A_35 : memref<256xi32, #tpu.memory_space<hbm>>) target(%arg8 : memref<256xi32, #tpu.memory_space<vmem>>) target_semaphore(%arg14 : memref<!tpu.dma_semaphore, #tpu.memory_space<semaphore_mem>>)
    %dma_start3A_36 = tpu.memref_slice %arg4[%select_n3A, %mul3A_32] : memref<4x2048xi32, #tpu.memory_space<hbm>> -> memref<1x256xi32, #tpu.memory_space<hbm>>
    %dma_start3A_37 = tpu.memref_squeeze %dma_start3A_36 : memref<1x256xi32, #tpu.memory_space<hbm>> -> memref<256xi32, #tpu.memory_space<hbm>>
    %dma_start3A_38 = tpu.memref_slice %arg4[%select_n3A, %mul3A_32] : memref<4x2048xi32, #tpu.memory_space<hbm>> -> memref<1x256xi32, #tpu.memory_space<hbm>>
    %dma_start3A_39 = tpu.memref_squeeze %dma_start3A_38 : memref<1x256xi32, #tpu.memory_space<hbm>> -> memref<256xi32, #tpu.memory_space<hbm>>
    tpu.enqueue_dma source(%dma_start3A_39 : memref<256xi32, #tpu.memory_space<hbm>>) target(%arg7 : memref<256xi32, #tpu.memory_space<vmem>>) target_semaphore(%arg13 : memref<!tpu.dma_semaphore, #tpu.memory_space<semaphore_mem>>)
    %mul3A_40 = arith.constant 128 : i32
    %mul3A_41 = arith.muli %arg1, %mul3A_40 : i32
    %mul3A_42 = arith.constant 128 : i32
    %mul3A_43 = arith.muli %arg1, %mul3A_42 : i32
    %dma_start3A_44 = arith.constant 0 : i32
    %dma_start3A_45 = tpu.memref_slice %arg12[%mul3A_43, %dma_start3A_44] : memref<2048x128xf32, #tpu.memory_space<vmem_shared>> -> memref<128x128xf32, #tpu.memory_space<vmem_shared>>
    %dma_start3A_46 = arith.constant 0 : i32
    %dma_start3A_47 = tpu.memref_slice %arg3[%mul3A_41, %dma_start3A_46] : memref<2048x128xf32, #tpu.memory_space<hbm>> -> memref<128x128xf32, #tpu.memory_space<hbm>>
    tpu.enqueue_dma source(%dma_start3A_47 : memref<128x128xf32, #tpu.memory_space<hbm>>) target(%dma_start3A_45 : memref<128x128xf32, #tpu.memory_space<vmem_shared>>) target_semaphore(%arg15 : memref<!tpu.dma_semaphore, #tpu.memory_space<semaphore_mem>>)
    %dma_wait3A = tpu.memref_slice %arg5[%select_n3A, %mul3A_32] : memref<4x2048xi32, #tpu.memory_space<hbm>> -> memref<1x256xi32, #tpu.memory_space<hbm>>
    %dma_wait3A_48 = tpu.memref_squeeze %dma_wait3A : memref<1x256xi32, #tpu.memory_space<hbm>> -> memref<256xi32, #tpu.memory_space<hbm>>
    %dma_wait3A_49 = tpu.memref_slice %arg5[%select_n3A, %mul3A_32] : memref<4x2048xi32, #tpu.memory_space<hbm>> -> memref<1x256xi32, #tpu.memory_space<hbm>>
    %dma_wait3A_50 = tpu.memref_squeeze %dma_wait3A_49 : memref<1x256xi32, #tpu.memory_space<hbm>> -> memref<256xi32, #tpu.memory_space<hbm>>
    tpu.wait_dma2 semaphore(%arg14 : memref<!tpu.dma_semaphore, #tpu.memory_space<semaphore_mem>>) src(%dma_wait3A_50 : memref<256xi32, #tpu.memory_space<hbm>>) dst(%arg8 : memref<256xi32, #tpu.memory_space<vmem>>)
    %dma_start3A_51 = arith.constant 0 : i32
    %dma_start3A_52 = arith.constant 0 : i32
    %dma_start3A_53 = tpu.memref_slice %arg11[%dma_start3A_51, %dma_start3A_52] : memref<256x128xf32, #tpu.memory_space<vmem>> -> memref<64x128xf32, #tpu.memory_space<vmem>>
    %dma_start3A_54 = arith.constant 0 : i32
    %dma_start3A_55 = tpu.memref_slice %arg8[%dma_start3A_54] : memref<256xi32, #tpu.memory_space<vmem>> -> memref<64xi32, #tpu.memory_space<vmem>>
    %dma_start3A_56 = arith.constant 0 : i32
    %dma_start3A_57 = arith.constant 0 : i32
    %dma_start3A_58 = tpu.memref_slice %arg3[%dma_start3A_56, %dma_start3A_57] : memref<2048x128xf32, #tpu.memory_space<hbm>> -> memref<2048x128xf32, #tpu.memory_space<hbm>>
    tpu.enqueue_indirect_dma source(%dma_start3A_58 : memref<2048x128xf32, #tpu.memory_space<hbm>>) target(%dma_start3A_53 : memref<64x128xf32, #tpu.memory_space<vmem>>) offsets(%dma_start3A_55 : memref<64xi32, #tpu.memory_space<vmem>>) semaphore(%arg20 : memref<!tpu.dma_semaphore, #tpu.memory_space<semaphore_mem>>)
    %dma_wait3A_59 = tpu.memref_slice %arg4[%select_n3A, %mul3A_32] : memref<4x2048xi32, #tpu.memory_space<hbm>> -> memref<1x256xi32, #tpu.memory_space<hbm>>
    %dma_wait3A_60 = tpu.memref_squeeze %dma_wait3A_59 : memref<1x256xi32, #tpu.memory_space<hbm>> -> memref<256xi32, #tpu.memory_space<hbm>>
    %dma_wait3A_61 = tpu.memref_slice %arg4[%select_n3A, %mul3A_32] : memref<4x2048xi32, #tpu.memory_space<hbm>> -> memref<1x256xi32, #tpu.memory_space<hbm>>
    %dma_wait3A_62 = tpu.memref_squeeze %dma_wait3A_61 : memref<1x256xi32, #tpu.memory_space<hbm>> -> memref<256xi32, #tpu.memory_space<hbm>>
    tpu.wait_dma2 semaphore(%arg13 : memref<!tpu.dma_semaphore, #tpu.memory_space<semaphore_mem>>) src(%dma_wait3A_62 : memref<256xi32, #tpu.memory_space<hbm>>) dst(%arg7 : memref<256xi32, #tpu.memory_space<vmem>>)
    %dma_start3A_63 = arith.constant 0 : i32
    %dma_start3A_64 = arith.constant 0 : i32
    %dma_start3A_65 = arith.constant 0 : i32
    %dma_start3A_66 = tpu.memref_slice %arg9[%dma_start3A_63, %dma_start3A_64, %dma_start3A_65] : memref<4x64x128xf32, #tpu.memory_space<vmem>> -> memref<1x64x128xf32, #tpu.memory_space<vmem>>
    %dma_start3A_67 = tpu.memref_squeeze %dma_start3A_66 : memref<1x64x128xf32, #tpu.memory_space<vmem>> -> memref<64x128xf32, #tpu.memory_space<vmem>>
    %dma_start3A_68 = arith.constant 0 : i32
    %dma_start3A_69 = tpu.memref_slice %arg7[%dma_start3A_68] : memref<256xi32, #tpu.memory_space<vmem>> -> memref<64xi32, #tpu.memory_space<vmem>>
    %dma_start3A_70 = arith.constant 0 : i32
    %dma_start3A_71 = arith.constant 0 : i32
    %dma_start3A_72 = tpu.memref_slice %arg2[%dma_start3A_70, %dma_start3A_71] : memref<100000x128xf32, #tpu.memory_space<hbm>> -> memref<100000x128xf32, #tpu.memory_space<hbm>>
    tpu.enqueue_indirect_dma source(%dma_start3A_72 : memref<100000x128xf32, #tpu.memory_space<hbm>>) target(%dma_start3A_67 : memref<64x128xf32, #tpu.memory_space<vmem>>) offsets(%dma_start3A_69 : memref<64xi32, #tpu.memory_space<vmem>>) semaphore(%arg16 : memref<!tpu.dma_semaphore, #tpu.memory_space<semaphore_mem>>)
    %dma_start3A_73 = arith.constant 1 : i32
    %dma_start3A_74 = arith.constant 0 : i32
    %dma_start3A_75 = arith.constant 0 : i32
    %dma_start3A_76 = tpu.memref_slice %arg9[%dma_start3A_73, %dma_start3A_74, %dma_start3A_75] : memref<4x64x128xf32, #tpu.memory_space<vmem>> -> memref<1x64x128xf32, #tpu.memory_space<vmem>>
    %dma_start3A_77 = tpu.memref_squeeze %dma_start3A_76 : memref<1x64x128xf32, #tpu.memory_space<vmem>> -> memref<64x128xf32, #tpu.memory_space<vmem>>
    %dma_start3A_78 = arith.constant 64 : i32
    %dma_start3A_79 = tpu.memref_slice %arg7[%dma_start3A_78] : memref<256xi32, #tpu.memory_space<vmem>> -> memref<64xi32, #tpu.memory_space<vmem>>
    %dma_start3A_80 = arith.constant 0 : i32
    %dma_start3A_81 = arith.constant 0 : i32
    %dma_start3A_82 = tpu.memref_slice %arg2[%dma_start3A_80, %dma_start3A_81] : memref<100000x128xf32, #tpu.memory_space<hbm>> -> memref<100000x128xf32, #tpu.memory_space<hbm>>
    tpu.enqueue_indirect_dma source(%dma_start3A_82 : memref<100000x128xf32, #tpu.memory_space<hbm>>) target(%dma_start3A_77 : memref<64x128xf32, #tpu.memory_space<vmem>>) offsets(%dma_start3A_79 : memref<64xi32, #tpu.memory_space<vmem>>) semaphore(%arg17 : memref<!tpu.dma_semaphore, #tpu.memory_space<semaphore_mem>>)
    %dma_start3A_83 = arith.constant 2 : i32
    %dma_start3A_84 = arith.constant 0 : i32
    %dma_start3A_85 = arith.constant 0 : i32
    %dma_start3A_86 = tpu.memref_slice %arg9[%dma_start3A_83, %dma_start3A_84, %dma_start3A_85] : memref<4x64x128xf32, #tpu.memory_space<vmem>> -> memref<1x64x128xf32, #tpu.memory_space<vmem>>
    %dma_start3A_87 = tpu.memref_squeeze %dma_start3A_86 : memref<1x64x128xf32, #tpu.memory_space<vmem>> -> memref<64x128xf32, #tpu.memory_space<vmem>>
    %dma_start3A_88 = arith.constant 128 : i32
    %dma_start3A_89 = tpu.memref_slice %arg7[%dma_start3A_88] : memref<256xi32, #tpu.memory_space<vmem>> -> memref<64xi32, #tpu.memory_space<vmem>>
    %dma_start3A_90 = arith.constant 0 : i32
    %dma_start3A_91 = arith.constant 0 : i32
    %dma_start3A_92 = tpu.memref_slice %arg2[%dma_start3A_90, %dma_start3A_91] : memref<100000x128xf32, #tpu.memory_space<hbm>> -> memref<100000x128xf32, #tpu.memory_space<hbm>>
    tpu.enqueue_indirect_dma source(%dma_start3A_92 : memref<100000x128xf32, #tpu.memory_space<hbm>>) target(%dma_start3A_87 : memref<64x128xf32, #tpu.memory_space<vmem>>) offsets(%dma_start3A_89 : memref<64xi32, #tpu.memory_space<vmem>>) semaphore(%arg18 : memref<!tpu.dma_semaphore, #tpu.memory_space<semaphore_mem>>)
    %dma_start3A_93 = arith.constant 3 : i32
    %dma_start3A_94 = arith.constant 0 : i32
    %dma_start3A_95 = arith.constant 0 : i32
    %dma_start3A_96 = tpu.memref_slice %arg9[%dma_start3A_93, %dma_start3A_94, %dma_start3A_95] : memref<4x64x128xf32, #tpu.memory_space<vmem>> -> memref<1x64x128xf32, #tpu.memory_space<vmem>>
    %dma_start3A_97 = tpu.memref_squeeze %dma_start3A_96 : memref<1x64x128xf32, #tpu.memory_space<vmem>> -> memref<64x128xf32, #tpu.memory_space<vmem>>
    %dma_start3A_98 = arith.constant 192 : i32
    %dma_start3A_99 = tpu.memref_slice %arg7[%dma_start3A_98] : memref<256xi32, #tpu.memory_space<vmem>> -> memref<64xi32, #tpu.memory_space<vmem>>
    %dma_start3A_100 = arith.constant 0 : i32
    %dma_start3A_101 = arith.constant 0 : i32
    %dma_start3A_102 = tpu.memref_slice %arg2[%dma_start3A_100, %dma_start3A_101] : memref<100000x128xf32, #tpu.memory_space<hbm>> -> memref<100000x128xf32, #tpu.memory_space<hbm>>
    tpu.enqueue_indirect_dma source(%dma_start3A_102 : memref<100000x128xf32, #tpu.memory_space<hbm>>) target(%dma_start3A_97 : memref<64x128xf32, #tpu.memory_space<vmem>>) offsets(%dma_start3A_99 : memref<64xi32, #tpu.memory_space<vmem>>) semaphore(%arg19 : memref<!tpu.dma_semaphore, #tpu.memory_space<semaphore_mem>>)
    %dma_wait3A_103 = arith.constant 0 : i32
    %dma_wait3A_104 = tpu.memref_slice %arg12[%mul3A_43, %dma_wait3A_103] : memref<2048x128xf32, #tpu.memory_space<vmem_shared>> -> memref<128x128xf32, #tpu.memory_space<vmem_shared>>
    %dma_wait3A_105 = arith.constant 0 : i32
    %dma_wait3A_106 = tpu.memref_slice %arg3[%mul3A_41, %dma_wait3A_105] : memref<2048x128xf32, #tpu.memory_space<hbm>> -> memref<128x128xf32, #tpu.memory_space<hbm>>
    tpu.wait_dma2 semaphore(%arg15 : memref<!tpu.dma_semaphore, #tpu.memory_space<semaphore_mem>>) src(%dma_wait3A_106 : memref<128x128xf32, #tpu.memory_space<hbm>>) dst(%dma_wait3A_104 : memref<128x128xf32, #tpu.memory_space<vmem_shared>>)
    %barrier3A = arith.constant 0 : index
    tpu.barrier barrier_id(%barrier3A)
    %dma_start3A_107 = arith.constant 64 : i32
    %dma_start3A_108 = arith.constant 0 : i32
    %dma_start3A_109 = tpu.memref_slice %arg11[%dma_start3A_107, %dma_start3A_108] : memref<256x128xf32, #tpu.memory_space<vmem>> -> memref<192x128xf32, #tpu.memory_space<vmem>>
    %dma_start3A_110 = arith.constant 64 : i32
    %dma_start3A_111 = tpu.memref_slice %arg8[%dma_start3A_110] : memref<256xi32, #tpu.memory_space<vmem>> -> memref<192xi32, #tpu.memory_space<vmem>>
    %dma_start3A_112 = arith.constant 0 : i32
    %dma_start3A_113 = arith.constant 0 : i32
    %dma_start3A_114 = tpu.memref_slice %arg12[%dma_start3A_112, %dma_start3A_113] : memref<2048x128xf32, #tpu.memory_space<vmem_shared>> -> memref<2048x128xf32, #tpu.memory_space<vmem_shared>>
    tpu.enqueue_indirect_dma source(%dma_start3A_114 : memref<2048x128xf32, #tpu.memory_space<vmem_shared>>) target(%dma_start3A_109 : memref<192x128xf32, #tpu.memory_space<vmem>>) offsets(%dma_start3A_111 : memref<192xi32, #tpu.memory_space<vmem>>) semaphore(%arg21 : memref<!tpu.dma_semaphore, #tpu.memory_space<semaphore_mem>>)
    %dma_wait3A_115 = arith.constant 0 : i32
    %dma_wait3A_116 = arith.constant 0 : i32
    %dma_wait3A_117 = arith.constant 0 : i32
    %dma_wait3A_118 = tpu.memref_slice %arg9[%dma_wait3A_115, %dma_wait3A_116, %dma_wait3A_117] : memref<4x64x128xf32, #tpu.memory_space<vmem>> -> memref<1x64x128xf32, #tpu.memory_space<vmem>>
    %dma_wait3A_119 = tpu.memref_squeeze %dma_wait3A_118 : memref<1x64x128xf32, #tpu.memory_space<vmem>> -> memref<64x128xf32, #tpu.memory_space<vmem>>
    %dma_wait3A_120 = arith.constant 0 : i32
    %dma_wait3A_121 = tpu.memref_slice %arg7[%dma_wait3A_120] : memref<256xi32, #tpu.memory_space<vmem>> -> memref<64xi32, #tpu.memory_space<vmem>>
    %dma_wait3A_122 = arith.constant 0 : i32
    %dma_wait3A_123 = arith.constant 0 : i32
    %dma_wait3A_124 = tpu.memref_slice %arg2[%dma_wait3A_122, %dma_wait3A_123] : memref<100000x128xf32, #tpu.memory_space<hbm>> -> memref<100000x128xf32, #tpu.memory_space<hbm>>
    tpu.wait_indirect_dma semaphore(%arg16 : memref<!tpu.dma_semaphore, #tpu.memory_space<semaphore_mem>>) src(%dma_wait3A_124 : memref<100000x128xf32, #tpu.memory_space<hbm>>) dst(%dma_wait3A_119 : memref<64x128xf32, #tpu.memory_space<vmem>>)
    %dma_wait3A_125 = arith.constant 0 : i32
    %dma_wait3A_126 = arith.constant 0 : i32
    %dma_wait3A_127 = tpu.memref_slice %arg11[%dma_wait3A_125, %dma_wait3A_126] : memref<256x128xf32, #tpu.memory_space<vmem>> -> memref<64x128xf32, #tpu.memory_space<vmem>>
    %dma_wait3A_128 = arith.constant 0 : i32
    %dma_wait3A_129 = tpu.memref_slice %arg8[%dma_wait3A_128] : memref<256xi32, #tpu.memory_space<vmem>> -> memref<64xi32, #tpu.memory_space<vmem>>
    %dma_wait3A_130 = arith.constant 0 : i32
    %dma_wait3A_131 = arith.constant 0 : i32
    %dma_wait3A_132 = tpu.memref_slice %arg3[%dma_wait3A_130, %dma_wait3A_131] : memref<2048x128xf32, #tpu.memory_space<hbm>> -> memref<2048x128xf32, #tpu.memory_space<hbm>>
    tpu.wait_indirect_dma semaphore(%arg20 : memref<!tpu.dma_semaphore, #tpu.memory_space<semaphore_mem>>) src(%dma_wait3A_132 : memref<2048x128xf32, #tpu.memory_space<hbm>>) dst(%dma_wait3A_127 : memref<64x128xf32, #tpu.memory_space<vmem>>)
    %parallel_loop3A = arith.constant 0 : i32
    %parallel_loop3A_133 = arith.constant 64 : i32
    %parallel_loop3A_134 = arith.constant 1 : i32
    scf.for %parallel_loop3A_310 = %parallel_loop3A to %parallel_loop3A_133 step %parallel_loop3A_134  : i32 {
      %parallel_loop3A_311 = arith.constant 0 : i32
      %parallel_loop3A_312 = arith.index_cast %parallel_loop3A_311 : i32 to index
      %parallel_loop3A_313 = arith.index_cast %parallel_loop3A_310 : i32 to index
      %parallel_loop3A_314 = arith.constant 0 : index
      %parallel_loop3A_315 = tpu.vector_load %arg9[%parallel_loop3A_312, %parallel_loop3A_313, %parallel_loop3A_314] {strides = array<i32>} : memref<4x64x128xf32, #tpu.memory_space<vmem>>, vector<1x1x16xf32>,
      %parallel_loop3A_316 = vector.shape_cast %parallel_loop3A_315 : vector<1x1x16xf32> to vector<16xf32>
      %parallel_loop3A_317 = arith.constant 0 : i32
      %parallel_loop3A_318 = arith.addi %parallel_loop3A_317, %parallel_loop3A_310 : i32
      %parallel_loop3A_319 = arith.index_cast %parallel_loop3A_318 : i32 to index
      %parallel_loop3A_320 = arith.constant 0 : index
      %parallel_loop3A_321 = tpu.vector_load %arg11[%parallel_loop3A_319, %parallel_loop3A_320] {strides = array<i32>} : memref<256x128xf32, #tpu.memory_space<vmem>>, vector<1x16xf32>,
      %parallel_loop3A_322 = vector.shape_cast %parallel_loop3A_321 : vector<1x16xf32> to vector<16xf32>
      %parallel_loop3A_323 = arith.addf %parallel_loop3A_316, %parallel_loop3A_322 : vector<16xf32>
      %parallel_loop3A_324 = arith.constant 0 : i32
      %parallel_loop3A_325 = arith.index_cast %parallel_loop3A_324 : i32 to index
      %parallel_loop3A_326 = arith.index_cast %parallel_loop3A_310 : i32 to index
      %parallel_loop3A_327 = arith.constant 0 : index
      %parallel_loop3A_328 = tpu.vector_load %arg10[%parallel_loop3A_325, %parallel_loop3A_326, %parallel_loop3A_327] {strides = array<i32>} : memref<2x64x128xf32, #tpu.memory_space<vmem>>, vector<1x1x16xf32>,
      %parallel_loop3A_329 = vector.shape_cast %parallel_loop3A_328 : vector<1x1x16xf32> to vector<16xf32>
      %parallel_loop3A_330 = vector.shape_cast %parallel_loop3A_323 : vector<16xf32> to vector<1x1x16xf32>
      tpu.vector_store %arg10[%parallel_loop3A_325, %parallel_loop3A_326, %parallel_loop3A_327], %parallel_loop3A_330 {strides = array<i32>} : memref<2x64x128xf32, #tpu.memory_space<vmem>>, vector<1x1x16xf32>,
      %parallel_loop3A_331 = arith.constant 0 : i32
      %parallel_loop3A_332 = arith.index_cast %parallel_loop3A_331 : i32 to index
      %parallel_loop3A_333 = arith.index_cast %parallel_loop3A_310 : i32 to index
      %parallel_loop3A_334 = arith.constant 16 : index
      %parallel_loop3A_335 = tpu.vector_load %arg9[%parallel_loop3A_332, %parallel_loop3A_333, %parallel_loop3A_334] {strides = array<i32>} : memref<4x64x128xf32, #tpu.memory_space<vmem>>, vector<1x1x16xf32>,
      %parallel_loop3A_336 = vector.shape_cast %parallel_loop3A_335 : vector<1x1x16xf32> to vector<16xf32>
      %parallel_loop3A_337 = arith.constant 0 : i32
      %parallel_loop3A_338 = arith.addi %parallel_loop3A_337, %parallel_loop3A_310 : i32
      %parallel_loop3A_339 = arith.index_cast %parallel_loop3A_338 : i32 to index
      %parallel_loop3A_340 = arith.constant 16 : index
      %parallel_loop3A_341 = tpu.vector_load %arg11[%parallel_loop3A_339, %parallel_loop3A_340] {strides = array<i32>} : memref<256x128xf32, #tpu.memory_space<vmem>>, vector<1x16xf32>,
      %parallel_loop3A_342 = vector.shape_cast %parallel_loop3A_341 : vector<1x16xf32> to vector<16xf32>
      %parallel_loop3A_343 = arith.addf %parallel_loop3A_336, %parallel_loop3A_342 : vector<16xf32>
      %parallel_loop3A_344 = arith.constant 0 : i32
      %parallel_loop3A_345 = arith.index_cast %parallel_loop3A_344 : i32 to index
      %parallel_loop3A_346 = arith.index_cast %parallel_loop3A_310 : i32 to index
      %parallel_loop3A_347 = arith.constant 16 : index
      %parallel_loop3A_348 = tpu.vector_load %arg10[%parallel_loop3A_345, %parallel_loop3A_346, %parallel_loop3A_347] {strides = array<i32>} : memref<2x64x128xf32, #tpu.memory_space<vmem>>, vector<1x1x16xf32>,
      %parallel_loop3A_349 = vector.shape_cast %parallel_loop3A_348 : vector<1x1x16xf32> to vector<16xf32>
      %parallel_loop3A_350 = vector.shape_cast %parallel_loop3A_343 : vector<16xf32> to vector<1x1x16xf32>
      tpu.vector_store %arg10[%parallel_loop3A_345, %parallel_loop3A_346, %parallel_loop3A_347], %parallel_loop3A_350 {strides = array<i32>} : memref<2x64x128xf32, #tpu.memory_space<vmem>>, vector<1x1x16xf32>,
      %parallel_loop3A_351 = arith.constant 0 : i32
      %parallel_loop3A_352 = arith.index_cast %parallel_loop3A_351 : i32 to index
      %parallel_loop3A_353 = arith.index_cast %parallel_loop3A_310 : i32 to index
      %parallel_loop3A_354 = arith.constant 32 : index
      %parallel_loop3A_355 = tpu.vector_load %arg9[%parallel_loop3A_352, %parallel_loop3A_353, %parallel_loop3A_354] {strides = array<i32>} : memref<4x64x128xf32, #tpu.memory_space<vmem>>, vector<1x1x16xf32>,
      %parallel_loop3A_356 = vector.shape_cast %parallel_loop3A_355 : vector<1x1x16xf32> to vector<16xf32>
      %parallel_loop3A_357 = arith.constant 0 : i32
      %parallel_loop3A_358 = arith.addi %parallel_loop3A_357, %parallel_loop3A_310 : i32
      %parallel_loop3A_359 = arith.index_cast %parallel_loop3A_358 : i32 to index
      %parallel_loop3A_360 = arith.constant 32 : index
      %parallel_loop3A_361 = tpu.vector_load %arg11[%parallel_loop3A_359, %parallel_loop3A_360] {strides = array<i32>} : memref<256x128xf32, #tpu.memory_space<vmem>>, vector<1x16xf32>,
      %parallel_loop3A_362 = vector.shape_cast %parallel_loop3A_361 : vector<1x16xf32> to vector<16xf32>
      %parallel_loop3A_363 = arith.addf %parallel_loop3A_356, %parallel_loop3A_362 : vector<16xf32>
      %parallel_loop3A_364 = arith.constant 0 : i32
      %parallel_loop3A_365 = arith.index_cast %parallel_loop3A_364 : i32 to index
      %parallel_loop3A_366 = arith.index_cast %parallel_loop3A_310 : i32 to index
      %parallel_loop3A_367 = arith.constant 32 : index
      %parallel_loop3A_368 = tpu.vector_load %arg10[%parallel_loop3A_365, %parallel_loop3A_366, %parallel_loop3A_367] {strides = array<i32>} : memref<2x64x128xf32, #tpu.memory_space<vmem>>, vector<1x1x16xf32>,
      %parallel_loop3A_369 = vector.shape_cast %parallel_loop3A_368 : vector<1x1x16xf32> to vector<16xf32>
      %parallel_loop3A_370 = vector.shape_cast %parallel_loop3A_363 : vector<16xf32> to vector<1x1x16xf32>
      tpu.vector_store %arg10[%parallel_loop3A_365, %parallel_loop3A_366, %parallel_loop3A_367], %parallel_loop3A_370 {strides = array<i32>} : memref<2x64x128xf32, #tpu.memory_space<vmem>>, vector<1x1x16xf32>,
      %parallel_loop3A_371 = arith.constant 0 : i32
      %parallel_loop3A_372 = arith.index_cast %parallel_loop3A_371 : i32 to index
      %parallel_loop3A_373 = arith.index_cast %parallel_loop3A_310 : i32 to index
      %parallel_loop3A_374 = arith.constant 48 : index
      %parallel_loop3A_375 = tpu.vector_load %arg9[%parallel_loop3A_372, %parallel_loop3A_373, %parallel_loop3A_374] {strides = array<i32>} : memref<4x64x128xf32, #tpu.memory_space<vmem>>, vector<1x1x16xf32>,
      %parallel_loop3A_376 = vector.shape_cast %parallel_loop3A_375 : vector<1x1x16xf32> to vector<16xf32>
      %parallel_loop3A_377 = arith.constant 0 : i32
      %parallel_loop3A_378 = arith.addi %parallel_loop3A_377, %parallel_loop3A_310 : i32
      %parallel_loop3A_379 = arith.index_cast %parallel_loop3A_378 : i32 to index
      %parallel_loop3A_380 = arith.constant 48 : index
      %parallel_loop3A_381 = tpu.vector_load %arg11[%parallel_loop3A_379, %parallel_loop3A_380] {strides = array<i32>} : memref<256x128xf32, #tpu.memory_space<vmem>>, vector<1x16xf32>,
      %parallel_loop3A_382 = vector.shape_cast %parallel_loop3A_381 : vector<1x16xf32> to vector<16xf32>
      %parallel_loop3A_383 = arith.addf %parallel_loop3A_376, %parallel_loop3A_382 : vector<16xf32>
      %parallel_loop3A_384 = arith.constant 0 : i32
      %parallel_loop3A_385 = arith.index_cast %parallel_loop3A_384 : i32 to index
      %parallel_loop3A_386 = arith.index_cast %parallel_loop3A_310 : i32 to index
      %parallel_loop3A_387 = arith.constant 48 : index
      %parallel_loop3A_388 = tpu.vector_load %arg10[%parallel_loop3A_385, %parallel_loop3A_386, %parallel_loop3A_387] {strides = array<i32>} : memref<2x64x128xf32, #tpu.memory_space<vmem>>, vector<1x1x16xf32>,
      %parallel_loop3A_389 = vector.shape_cast %parallel_loop3A_388 : vector<1x1x16xf32> to vector<16xf32>
      %parallel_loop3A_390 = vector.shape_cast %parallel_loop3A_383 : vector<16xf32> to vector<1x1x16xf32>
      tpu.vector_store %arg10[%parallel_loop3A_385, %parallel_loop3A_386, %parallel_loop3A_387], %parallel_loop3A_390 {strides = array<i32>} : memref<2x64x128xf32, #tpu.memory_space<vmem>>, vector<1x1x16xf32>,
      %parallel_loop3A_391 = arith.constant 0 : i32
      %parallel_loop3A_392 = arith.index_cast %parallel_loop3A_391 : i32 to index
      %parallel_loop3A_393 = arith.index_cast %parallel_loop3A_310 : i32 to index
      %parallel_loop3A_394 = arith.constant 64 : index
      %parallel_loop3A_395 = tpu.vector_load %arg9[%parallel_loop3A_392, %parallel_loop3A_393, %parallel_loop3A_394] {strides = array<i32>} : memref<4x64x128xf32, #tpu.memory_space<vmem>>, vector<1x1x16xf32>,
      %parallel_loop3A_396 = vector.shape_cast %parallel_loop3A_395 : vector<1x1x16xf32> to vector<16xf32>
      %parallel_loop3A_397 = arith.constant 0 : i32
      %parallel_loop3A_398 = arith.addi %parallel_loop3A_397, %parallel_loop3A_310 : i32
      %parallel_loop3A_399 = arith.index_cast %parallel_loop3A_398 : i32 to index
      %parallel_loop3A_400 = arith.constant 64 : index
      %parallel_loop3A_401 = tpu.vector_load %arg11[%parallel_loop3A_399, %parallel_loop3A_400] {strides = array<i32>} : memref<256x128xf32, #tpu.memory_space<vmem>>, vector<1x16xf32>,
      %parallel_loop3A_402 = vector.shape_cast %parallel_loop3A_401 : vector<1x16xf32> to vector<16xf32>
      %parallel_loop3A_403 = arith.addf %parallel_loop3A_396, %parallel_loop3A_402 : vector<16xf32>
      %parallel_loop3A_404 = arith.constant 0 : i32
      %parallel_loop3A_405 = arith.index_cast %parallel_loop3A_404 : i32 to index
      %parallel_loop3A_406 = arith.index_cast %parallel_loop3A_310 : i32 to index
      %parallel_loop3A_407 = arith.constant 64 : index
      %parallel_loop3A_408 = tpu.vector_load %arg10[%parallel_loop3A_405, %parallel_loop3A_406, %parallel_loop3A_407] {strides = array<i32>} : memref<2x64x128xf32, #tpu.memory_space<vmem>>, vector<1x1x16xf32>,
      %parallel_loop3A_409 = vector.shape_cast %parallel_loop3A_408 : vector<1x1x16xf32> to vector<16xf32>
      %parallel_loop3A_410 = vector.shape_cast %parallel_loop3A_403 : vector<16xf32> to vector<1x1x16xf32>
      tpu.vector_store %arg10[%parallel_loop3A_405, %parallel_loop3A_406, %parallel_loop3A_407], %parallel_loop3A_410 {strides = array<i32>} : memref<2x64x128xf32, #tpu.memory_space<vmem>>, vector<1x1x16xf32>,
      %parallel_loop3A_411 = arith.constant 0 : i32
      %parallel_loop3A_412 = arith.index_cast %parallel_loop3A_411 : i32 to index
      %parallel_loop3A_413 = arith.index_cast %parallel_loop3A_310 : i32 to index
      %parallel_loop3A_414 = arith.constant 80 : index
      %parallel_loop3A_415 = tpu.vector_load %arg9[%parallel_loop3A_412, %parallel_loop3A_413, %parallel_loop3A_414] {strides = array<i32>} : memref<4x64x128xf32, #tpu.memory_space<vmem>>, vector<1x1x16xf32>,
      %parallel_loop3A_416 = vector.shape_cast %parallel_loop3A_415 : vector<1x1x16xf32> to vector<16xf32>
      %parallel_loop3A_417 = arith.constant 0 : i32
      %parallel_loop3A_418 = arith.addi %parallel_loop3A_417, %parallel_loop3A_310 : i32
      %parallel_loop3A_419 = arith.index_cast %parallel_loop3A_418 : i32 to index
      %parallel_loop3A_420 = arith.constant 80 : index
      %parallel_loop3A_421 = tpu.vector_load %arg11[%parallel_loop3A_419, %parallel_loop3A_420] {strides = array<i32>} : memref<256x128xf32, #tpu.memory_space<vmem>>, vector<1x16xf32>,
      %parallel_loop3A_422 = vector.shape_cast %parallel_loop3A_421 : vector<1x16xf32> to vector<16xf32>
      %parallel_loop3A_423 = arith.addf %parallel_loop3A_416, %parallel_loop3A_422 : vector<16xf32>
      %parallel_loop3A_424 = arith.constant 0 : i32
      %parallel_loop3A_425 = arith.index_cast %parallel_loop3A_424 : i32 to index
      %parallel_loop3A_426 = arith.index_cast %parallel_loop3A_310 : i32 to index
      %parallel_loop3A_427 = arith.constant 80 : index
      %parallel_loop3A_428 = tpu.vector_load %arg10[%parallel_loop3A_425, %parallel_loop3A_426, %parallel_loop3A_427] {strides = array<i32>} : memref<2x64x128xf32, #tpu.memory_space<vmem>>, vector<1x1x16xf32>,
      %parallel_loop3A_429 = vector.shape_cast %parallel_loop3A_428 : vector<1x1x16xf32> to vector<16xf32>
      %parallel_loop3A_430 = vector.shape_cast %parallel_loop3A_423 : vector<16xf32> to vector<1x1x16xf32>
      tpu.vector_store %arg10[%parallel_loop3A_425, %parallel_loop3A_426, %parallel_loop3A_427], %parallel_loop3A_430 {strides = array<i32>} : memref<2x64x128xf32, #tpu.memory_space<vmem>>, vector<1x1x16xf32>,
      %parallel_loop3A_431 = arith.constant 0 : i32
      %parallel_loop3A_432 = arith.index_cast %parallel_loop3A_431 : i32 to index
      %parallel_loop3A_433 = arith.index_cast %parallel_loop3A_310 : i32 to index
      %parallel_loop3A_434 = arith.constant 96 : index
      %parallel_loop3A_435 = tpu.vector_load %arg9[%parallel_loop3A_432, %parallel_loop3A_433, %parallel_loop3A_434] {strides = array<i32>} : memref<4x64x128xf32, #tpu.memory_space<vmem>>, vector<1x1x16xf32>,
      %parallel_loop3A_436 = vector.shape_cast %parallel_loop3A_435 : vector<1x1x16xf32> to vector<16xf32>
      %parallel_loop3A_437 = arith.constant 0 : i32
      %parallel_loop3A_438 = arith.addi %parallel_loop3A_437, %parallel_loop3A_310 : i32
      %parallel_loop3A_439 = arith.index_cast %parallel_loop3A_438 : i32 to index
      %parallel_loop3A_440 = arith.constant 96 : index
      %parallel_loop3A_441 = tpu.vector_load %arg11[%parallel_loop3A_439, %parallel_loop3A_440] {strides = array<i32>} : memref<256x128xf32, #tpu.memory_space<vmem>>, vector<1x16xf32>,
      %parallel_loop3A_442 = vector.shape_cast %parallel_loop3A_441 : vector<1x16xf32> to vector<16xf32>
      %parallel_loop3A_443 = arith.addf %parallel_loop3A_436, %parallel_loop3A_442 : vector<16xf32>
      %parallel_loop3A_444 = arith.constant 0 : i32
      %parallel_loop3A_445 = arith.index_cast %parallel_loop3A_444 : i32 to index
      %parallel_loop3A_446 = arith.index_cast %parallel_loop3A_310 : i32 to index
      %parallel_loop3A_447 = arith.constant 96 : index
      %parallel_loop3A_448 = tpu.vector_load %arg10[%parallel_loop3A_445, %parallel_loop3A_446, %parallel_loop3A_447] {strides = array<i32>} : memref<2x64x128xf32, #tpu.memory_space<vmem>>, vector<1x1x16xf32>,
      %parallel_loop3A_449 = vector.shape_cast %parallel_loop3A_448 : vector<1x1x16xf32> to vector<16xf32>
      %parallel_loop3A_450 = vector.shape_cast %parallel_loop3A_443 : vector<16xf32> to vector<1x1x16xf32>
      tpu.vector_store %arg10[%parallel_loop3A_445, %parallel_loop3A_446, %parallel_loop3A_447], %parallel_loop3A_450 {strides = array<i32>} : memref<2x64x128xf32, #tpu.memory_space<vmem>>, vector<1x1x16xf32>,
      %parallel_loop3A_451 = arith.constant 0 : i32
      %parallel_loop3A_452 = arith.index_cast %parallel_loop3A_451 : i32 to index
      %parallel_loop3A_453 = arith.index_cast %parallel_loop3A_310 : i32 to index
      %parallel_loop3A_454 = arith.constant 112 : index
      %parallel_loop3A_455 = tpu.vector_load %arg9[%parallel_loop3A_452, %parallel_loop3A_453, %parallel_loop3A_454] {strides = array<i32>} : memref<4x64x128xf32, #tpu.memory_space<vmem>>, vector<1x1x16xf32>,
      %parallel_loop3A_456 = vector.shape_cast %parallel_loop3A_455 : vector<1x1x16xf32> to vector<16xf32>
      %parallel_loop3A_457 = arith.constant 0 : i32
      %parallel_loop3A_458 = arith.addi %parallel_loop3A_457, %parallel_loop3A_310 : i32
      %parallel_loop3A_459 = arith.index_cast %parallel_loop3A_458 : i32 to index
      %parallel_loop3A_460 = arith.constant 112 : index
      %parallel_loop3A_461 = tpu.vector_load %arg11[%parallel_loop3A_459, %parallel_loop3A_460] {strides = array<i32>} : memref<256x128xf32, #tpu.memory_space<vmem>>, vector<1x16xf32>,
      %parallel_loop3A_462 = vector.shape_cast %parallel_loop3A_461 : vector<1x16xf32> to vector<16xf32>
      %parallel_loop3A_463 = arith.addf %parallel_loop3A_456, %parallel_loop3A_462 : vector<16xf32>
      %parallel_loop3A_464 = arith.constant 0 : i32
      %parallel_loop3A_465 = arith.index_cast %parallel_loop3A_464 : i32 to index
      %parallel_loop3A_466 = arith.index_cast %parallel_loop3A_310 : i32 to index
      %parallel_loop3A_467 = arith.constant 112 : index
      %parallel_loop3A_468 = tpu.vector_load %arg10[%parallel_loop3A_465, %parallel_loop3A_466, %parallel_loop3A_467] {strides = array<i32>} : memref<2x64x128xf32, #tpu.memory_space<vmem>>, vector<1x1x16xf32>,
      %parallel_loop3A_469 = vector.shape_cast %parallel_loop3A_468 : vector<1x1x16xf32> to vector<16xf32>
      %parallel_loop3A_470 = vector.shape_cast %parallel_loop3A_463 : vector<16xf32> to vector<1x1x16xf32>
      tpu.vector_store %arg10[%parallel_loop3A_465, %parallel_loop3A_466, %parallel_loop3A_467], %parallel_loop3A_470 {strides = array<i32>} : memref<2x64x128xf32, #tpu.memory_space<vmem>>, vector<1x1x16xf32>,
    } {sc.loop_unroll_factor = 2 : i64, sc.parallel_access}
    %add3A_135 = arith.constant 0 : i32
    %add3A_136 = arith.addi %mul3A_32, %add3A_135 : i32
    %dma_start3A_137 = arith.constant 0 : i32
    %dma_start3A_138 = arith.constant 0 : i32
    %dma_start3A_139 = arith.constant 0 : i32
    %dma_start3A_140 = tpu.memref_slice %arg10[%dma_start3A_137, %dma_start3A_138, %dma_start3A_139] : memref<2x64x128xf32, #tpu.memory_space<vmem>> -> memref<1x64x128xf32, #tpu.memory_space<vmem>>
    %dma_start3A_141 = tpu.memref_squeeze %dma_start3A_140 : memref<1x64x128xf32, #tpu.memory_space<vmem>> -> memref<64x128xf32, #tpu.memory_space<vmem>>
    %dma_start3A_142 = arith.constant 0 : i32
    %dma_start3A_143 = tpu.memref_slice %arg6[%select_n3A, %add3A_136, %dma_start3A_142] : memref<4x2048x128xf32, #tpu.memory_space<hbm>> -> memref<1x64x128xf32, #tpu.memory_space<hbm>>
    %dma_start3A_144 = tpu.memref_squeeze %dma_start3A_143 : memref<1x64x128xf32, #tpu.memory_space<hbm>> -> memref<64x128xf32, #tpu.memory_space<hbm>>
    %dma_start3A_145 = arith.constant 0 : i32
    %dma_start3A_146 = tpu.memref_slice %arg6[%select_n3A, %add3A_136, %dma_start3A_145] : memref<4x2048x128xf32, #tpu.memory_space<hbm>> -> memref<1x64x128xf32, #tpu.memory_space<hbm>>
    %dma_start3A_147 = tpu.memref_squeeze %dma_start3A_146 : memref<1x64x128xf32, #tpu.memory_space<hbm>> -> memref<64x128xf32, #tpu.memory_space<hbm>>
    %dma_start3A_148 = arith.constant 0 : i32
    %dma_start3A_149 = arith.constant 0 : i32
    %dma_start3A_150 = tpu.memref_slice %arg10[%dma_start3A_137, %dma_start3A_148, %dma_start3A_149] : memref<2x64x128xf32, #tpu.memory_space<vmem>> -> memref<1x64x128xf32, #tpu.memory_space<vmem>>
    %dma_start3A_151 = tpu.memref_squeeze %dma_start3A_150 : memref<1x64x128xf32, #tpu.memory_space<vmem>> -> memref<64x128xf32, #tpu.memory_space<vmem>>
    tpu.enqueue_dma source(%dma_start3A_151 : memref<64x128xf32, #tpu.memory_space<vmem>>) target(%dma_start3A_147 : memref<64x128xf32, #tpu.memory_space<hbm>>) target_semaphore(%arg24 : memref<!tpu.dma_semaphore, #tpu.memory_space<semaphore_mem>>)
    %dma_wait3A_152 = arith.constant 1 : i32
    %dma_wait3A_153 = arith.constant 0 : i32
    %dma_wait3A_154 = arith.constant 0 : i32
    %dma_wait3A_155 = tpu.memref_slice %arg9[%dma_wait3A_152, %dma_wait3A_153, %dma_wait3A_154] : memref<4x64x128xf32, #tpu.memory_space<vmem>> -> memref<1x64x128xf32, #tpu.memory_space<vmem>>
    %dma_wait3A_156 = tpu.memref_squeeze %dma_wait3A_155 : memref<1x64x128xf32, #tpu.memory_space<vmem>> -> memref<64x128xf32, #tpu.memory_space<vmem>>
    %dma_wait3A_157 = arith.constant 64 : i32
    %dma_wait3A_158 = tpu.memref_slice %arg7[%dma_wait3A_157] : memref<256xi32, #tpu.memory_space<vmem>> -> memref<64xi32, #tpu.memory_space<vmem>>
    %dma_wait3A_159 = arith.constant 0 : i32
    %dma_wait3A_160 = arith.constant 0 : i32
    %dma_wait3A_161 = tpu.memref_slice %arg2[%dma_wait3A_159, %dma_wait3A_160] : memref<100000x128xf32, #tpu.memory_space<hbm>> -> memref<100000x128xf32, #tpu.memory_space<hbm>>
    tpu.wait_indirect_dma semaphore(%arg17 : memref<!tpu.dma_semaphore, #tpu.memory_space<semaphore_mem>>) src(%dma_wait3A_161 : memref<100000x128xf32, #tpu.memory_space<hbm>>) dst(%dma_wait3A_156 : memref<64x128xf32, #tpu.memory_space<vmem>>)
    %dma_wait3A_162 = arith.constant 64 : i32
    %dma_wait3A_163 = arith.constant 0 : i32
    %dma_wait3A_164 = tpu.memref_slice %arg11[%dma_wait3A_162, %dma_wait3A_163] : memref<256x128xf32, #tpu.memory_space<vmem>> -> memref<192x128xf32, #tpu.memory_space<vmem>>
    %dma_wait3A_165 = arith.constant 64 : i32
    %dma_wait3A_166 = tpu.memref_slice %arg8[%dma_wait3A_165] : memref<256xi32, #tpu.memory_space<vmem>> -> memref<192xi32, #tpu.memory_space<vmem>>
    %dma_wait3A_167 = arith.constant 0 : i32
    %dma_wait3A_168 = arith.constant 0 : i32
    %dma_wait3A_169 = tpu.memref_slice %arg12[%dma_wait3A_167, %dma_wait3A_168] : memref<2048x128xf32, #tpu.memory_space<vmem_shared>> -> memref<2048x128xf32, #tpu.memory_space<vmem_shared>>
    tpu.wait_indirect_dma semaphore(%arg21 : memref<!tpu.dma_semaphore, #tpu.memory_space<semaphore_mem>>) src(%dma_wait3A_169 : memref<2048x128xf32, #tpu.memory_space<vmem_shared>>) dst(%dma_wait3A_164 : memref<192x128xf32, #tpu.memory_space<vmem>>)
    %parallel_loop3A_170 = arith.constant 0 : i32
    %parallel_loop3A_171 = arith.constant 64 : i32
    %parallel_loop3A_172 = arith.constant 1 : i32
    scf.for %parallel_loop3A_310 = %parallel_loop3A_170 to %parallel_loop3A_171 step %parallel_loop3A_172  : i32 {
      %parallel_loop3A_311 = arith.constant 1 : i32
      %parallel_loop3A_312 = arith.index_cast %parallel_loop3A_311 : i32 to index
      %parallel_loop3A_313 = arith.index_cast %parallel_loop3A_310 : i32 to index
      %parallel_loop3A_314 = arith.constant 0 : index
      %parallel_loop3A_315 = tpu.vector_load %arg9[%parallel_loop3A_312, %parallel_loop3A_313, %parallel_loop3A_314] {strides = array<i32>} : memref<4x64x128xf32, #tpu.memory_space<vmem>>, vector<1x1x16xf32>,
      %parallel_loop3A_316 = vector.shape_cast %parallel_loop3A_315 : vector<1x1x16xf32> to vector<16xf32>
      %parallel_loop3A_317 = arith.constant 64 : i32
      %parallel_loop3A_318 = arith.addi %parallel_loop3A_317, %parallel_loop3A_310 : i32
      %parallel_loop3A_319 = arith.index_cast %parallel_loop3A_318 : i32 to index
      %parallel_loop3A_320 = arith.constant 0 : index
      %parallel_loop3A_321 = tpu.vector_load %arg11[%parallel_loop3A_319, %parallel_loop3A_320] {strides = array<i32>} : memref<256x128xf32, #tpu.memory_space<vmem>>, vector<1x16xf32>,
      %parallel_loop3A_322 = vector.shape_cast %parallel_loop3A_321 : vector<1x16xf32> to vector<16xf32>
      %parallel_loop3A_323 = arith.addf %parallel_loop3A_316, %parallel_loop3A_322 : vector<16xf32>
      %parallel_loop3A_324 = arith.constant 1 : i32
      %parallel_loop3A_325 = arith.index_cast %parallel_loop3A_324 : i32 to index
      %parallel_loop3A_326 = arith.index_cast %parallel_loop3A_310 : i32 to index
      %parallel_loop3A_327 = arith.constant 0 : index
      %parallel_loop3A_328 = tpu.vector_load %arg10[%parallel_loop3A_325, %parallel_loop3A_326, %parallel_loop3A_327] {strides = array<i32>} : memref<2x64x128xf32, #tpu.memory_space<vmem>>, vector<1x1x16xf32>,
      %parallel_loop3A_329 = vector.shape_cast %parallel_loop3A_328 : vector<1x1x16xf32> to vector<16xf32>
      %parallel_loop3A_330 = vector.shape_cast %parallel_loop3A_323 : vector<16xf32> to vector<1x1x16xf32>
      tpu.vector_store %arg10[%parallel_loop3A_325, %parallel_loop3A_326, %parallel_loop3A_327], %parallel_loop3A_330 {strides = array<i32>} : memref<2x64x128xf32, #tpu.memory_space<vmem>>, vector<1x1x16xf32>,
      %parallel_loop3A_331 = arith.constant 1 : i32
      %parallel_loop3A_332 = arith.index_cast %parallel_loop3A_331 : i32 to index
      %parallel_loop3A_333 = arith.index_cast %parallel_loop3A_310 : i32 to index
      %parallel_loop3A_334 = arith.constant 16 : index
      %parallel_loop3A_335 = tpu.vector_load %arg9[%parallel_loop3A_332, %parallel_loop3A_333, %parallel_loop3A_334] {strides = array<i32>} : memref<4x64x128xf32, #tpu.memory_space<vmem>>, vector<1x1x16xf32>,
      %parallel_loop3A_336 = vector.shape_cast %parallel_loop3A_335 : vector<1x1x16xf32> to vector<16xf32>
      %parallel_loop3A_337 = arith.constant 64 : i32
      %parallel_loop3A_338 = arith.addi %parallel_loop3A_337, %parallel_loop3A_310 : i32
      %parallel_loop3A_339 = arith.index_cast %parallel_loop3A_338 : i32 to index
      %parallel_loop3A_340 = arith.constant 16 : index
      %parallel_loop3A_341 = tpu.vector_load %arg11[%parallel_loop3A_339, %parallel_loop3A_340] {strides = array<i32>} : memref<256x128xf32, #tpu.memory_space<vmem>>, vector<1x16xf32>,
      %parallel_loop3A_342 = vector.shape_cast %parallel_loop3A_341 : vector<1x16xf32> to vector<16xf32>
      %parallel_loop3A_343 = arith.addf %parallel_loop3A_336, %parallel_loop3A_342 : vector<16xf32>
      %parallel_loop3A_344 = arith.constant 1 : i32
      %parallel_loop3A_345 = arith.index_cast %parallel_loop3A_344 : i32 to index
      %parallel_loop3A_346 = arith.index_cast %parallel_loop3A_310 : i32 to index
      %parallel_loop3A_347 = arith.constant 16 : index
      %parallel_loop3A_348 = tpu.vector_load %arg10[%parallel_loop3A_345, %parallel_loop3A_346, %parallel_loop3A_347] {strides = array<i32>} : memref<2x64x128xf32, #tpu.memory_space<vmem>>, vector<1x1x16xf32>,
      %parallel_loop3A_349 = vector.shape_cast %parallel_loop3A_348 : vector<1x1x16xf32> to vector<16xf32>
      %parallel_loop3A_350 = vector.shape_cast %parallel_loop3A_343 : vector<16xf32> to vector<1x1x16xf32>
      tpu.vector_store %arg10[%parallel_loop3A_345, %parallel_loop3A_346, %parallel_loop3A_347], %parallel_loop3A_350 {strides = array<i32>} : memref<2x64x128xf32, #tpu.memory_space<vmem>>, vector<1x1x16xf32>,
      %parallel_loop3A_351 = arith.constant 1 : i32
      %parallel_loop3A_352 = arith.index_cast %parallel_loop3A_351 : i32 to index
      %parallel_loop3A_353 = arith.index_cast %parallel_loop3A_310 : i32 to index
      %parallel_loop3A_354 = arith.constant 32 : index
      %parallel_loop3A_355 = tpu.vector_load %arg9[%parallel_loop3A_352, %parallel_loop3A_353, %parallel_loop3A_354] {strides = array<i32>} : memref<4x64x128xf32, #tpu.memory_space<vmem>>, vector<1x1x16xf32>,
      %parallel_loop3A_356 = vector.shape_cast %parallel_loop3A_355 : vector<1x1x16xf32> to vector<16xf32>
      %parallel_loop3A_357 = arith.constant 64 : i32
      %parallel_loop3A_358 = arith.addi %parallel_loop3A_357, %parallel_loop3A_310 : i32
      %parallel_loop3A_359 = arith.index_cast %parallel_loop3A_358 : i32 to index
      %parallel_loop3A_360 = arith.constant 32 : index
      %parallel_loop3A_361 = tpu.vector_load %arg11[%parallel_loop3A_359, %parallel_loop3A_360] {strides = array<i32>} : memref<256x128xf32, #tpu.memory_space<vmem>>, vector<1x16xf32>,
      %parallel_loop3A_362 = vector.shape_cast %parallel_loop3A_361 : vector<1x16xf32> to vector<16xf32>
      %parallel_loop3A_363 = arith.addf %parallel_loop3A_356, %parallel_loop3A_362 : vector<16xf32>
      %parallel_loop3A_364 = arith.constant 1 : i32
      %parallel_loop3A_365 = arith.index_cast %parallel_loop3A_364 : i32 to index
      %parallel_loop3A_366 = arith.index_cast %parallel_loop3A_310 : i32 to index
      %parallel_loop3A_367 = arith.constant 32 : index
      %parallel_loop3A_368 = tpu.vector_load %arg10[%parallel_loop3A_365, %parallel_loop3A_366, %parallel_loop3A_367] {strides = array<i32>} : memref<2x64x128xf32, #tpu.memory_space<vmem>>, vector<1x1x16xf32>,
      %parallel_loop3A_369 = vector.shape_cast %parallel_loop3A_368 : vector<1x1x16xf32> to vector<16xf32>
      %parallel_loop3A_370 = vector.shape_cast %parallel_loop3A_363 : vector<16xf32> to vector<1x1x16xf32>
      tpu.vector_store %arg10[%parallel_loop3A_365, %parallel_loop3A_366, %parallel_loop3A_367], %parallel_loop3A_370 {strides = array<i32>} : memref<2x64x128xf32, #tpu.memory_space<vmem>>, vector<1x1x16xf32>,
      %parallel_loop3A_371 = arith.constant 1 : i32
      %parallel_loop3A_372 = arith.index_cast %parallel_loop3A_371 : i32 to index
      %parallel_loop3A_373 = arith.index_cast %parallel_loop3A_310 : i32 to index
      %parallel_loop3A_374 = arith.constant 48 : index
      %parallel_loop3A_375 = tpu.vector_load %arg9[%parallel_loop3A_372, %parallel_loop3A_373, %parallel_loop3A_374] {strides = array<i32>} : memref<4x64x128xf32, #tpu.memory_space<vmem>>, vector<1x1x16xf32>,
      %parallel_loop3A_376 = vector.shape_cast %parallel_loop3A_375 : vector<1x1x16xf32> to vector<16xf32>
      %parallel_loop3A_377 = arith.constant 64 : i32
      %parallel_loop3A_378 = arith.addi %parallel_loop3A_377, %parallel_loop3A_310 : i32
      %parallel_loop3A_379 = arith.index_cast %parallel_loop3A_378 : i32 to index
      %parallel_loop3A_380 = arith.constant 48 : index
      %parallel_loop3A_381 = tpu.vector_load %arg11[%parallel_loop3A_379, %parallel_loop3A_380] {strides = array<i32>} : memref<256x128xf32, #tpu.memory_space<vmem>>, vector<1x16xf32>,
      %parallel_loop3A_382 = vector.shape_cast %parallel_loop3A_381 : vector<1x16xf32> to vector<16xf32>
      %parallel_loop3A_383 = arith.addf %parallel_loop3A_376, %parallel_loop3A_382 : vector<16xf32>
      %parallel_loop3A_384 = arith.constant 1 : i32
      %parallel_loop3A_385 = arith.index_cast %parallel_loop3A_384 : i32 to index
      %parallel_loop3A_386 = arith.index_cast %parallel_loop3A_310 : i32 to index
      %parallel_loop3A_387 = arith.constant 48 : index
      %parallel_loop3A_388 = tpu.vector_load %arg10[%parallel_loop3A_385, %parallel_loop3A_386, %parallel_loop3A_387] {strides = array<i32>} : memref<2x64x128xf32, #tpu.memory_space<vmem>>, vector<1x1x16xf32>,
      %parallel_loop3A_389 = vector.shape_cast %parallel_loop3A_388 : vector<1x1x16xf32> to vector<16xf32>
      %parallel_loop3A_390 = vector.shape_cast %parallel_loop3A_383 : vector<16xf32> to vector<1x1x16xf32>
      tpu.vector_store %arg10[%parallel_loop3A_385, %parallel_loop3A_386, %parallel_loop3A_387], %parallel_loop3A_390 {strides = array<i32>} : memref<2x64x128xf32, #tpu.memory_space<vmem>>, vector<1x1x16xf32>,
      %parallel_loop3A_391 = arith.constant 1 : i32
      %parallel_loop3A_392 = arith.index_cast %parallel_loop3A_391 : i32 to index
      %parallel_loop3A_393 = arith.index_cast %parallel_loop3A_310 : i32 to index
      %parallel_loop3A_394 = arith.constant 64 : index
      %parallel_loop3A_395 = tpu.vector_load %arg9[%parallel_loop3A_392, %parallel_loop3A_393, %parallel_loop3A_394] {strides = array<i32>} : memref<4x64x128xf32, #tpu.memory_space<vmem>>, vector<1x1x16xf32>,
      %parallel_loop3A_396 = vector.shape_cast %parallel_loop3A_395 : vector<1x1x16xf32> to vector<16xf32>
      %parallel_loop3A_397 = arith.constant 64 : i32
      %parallel_loop3A_398 = arith.addi %parallel_loop3A_397, %parallel_loop3A_310 : i32
      %parallel_loop3A_399 = arith.index_cast %parallel_loop3A_398 : i32 to index
      %parallel_loop3A_400 = arith.constant 64 : index
      %parallel_loop3A_401 = tpu.vector_load %arg11[%parallel_loop3A_399, %parallel_loop3A_400] {strides = array<i32>} : memref<256x128xf32, #tpu.memory_space<vmem>>, vector<1x16xf32>,
      %parallel_loop3A_402 = vector.shape_cast %parallel_loop3A_401 : vector<1x16xf32> to vector<16xf32>
      %parallel_loop3A_403 = arith.addf %parallel_loop3A_396, %parallel_loop3A_402 : vector<16xf32>
      %parallel_loop3A_404 = arith.constant 1 : i32
      %parallel_loop3A_405 = arith.index_cast %parallel_loop3A_404 : i32 to index
      %parallel_loop3A_406 = arith.index_cast %parallel_loop3A_310 : i32 to index
      %parallel_loop3A_407 = arith.constant 64 : index
      %parallel_loop3A_408 = tpu.vector_load %arg10[%parallel_loop3A_405, %parallel_loop3A_406, %parallel_loop3A_407] {strides = array<i32>} : memref<2x64x128xf32, #tpu.memory_space<vmem>>, vector<1x1x16xf32>,
      %parallel_loop3A_409 = vector.shape_cast %parallel_loop3A_408 : vector<1x1x16xf32> to vector<16xf32>
      %parallel_loop3A_410 = vector.shape_cast %parallel_loop3A_403 : vector<16xf32> to vector<1x1x16xf32>
      tpu.vector_store %arg10[%parallel_loop3A_405, %parallel_loop3A_406, %parallel_loop3A_407], %parallel_loop3A_410 {strides = array<i32>} : memref<2x64x128xf32, #tpu.memory_space<vmem>>, vector<1x1x16xf32>,
      %parallel_loop3A_411 = arith.constant 1 : i32
      %parallel_loop3A_412 = arith.index_cast %parallel_loop3A_411 : i32 to index
      %parallel_loop3A_413 = arith.index_cast %parallel_loop3A_310 : i32 to index
      %parallel_loop3A_414 = arith.constant 80 : index
      %parallel_loop3A_415 = tpu.vector_load %arg9[%parallel_loop3A_412, %parallel_loop3A_413, %parallel_loop3A_414] {strides = array<i32>} : memref<4x64x128xf32, #tpu.memory_space<vmem>>, vector<1x1x16xf32>,
      %parallel_loop3A_416 = vector.shape_cast %parallel_loop3A_415 : vector<1x1x16xf32> to vector<16xf32>
      %parallel_loop3A_417 = arith.constant 64 : i32
      %parallel_loop3A_418 = arith.addi %parallel_loop3A_417, %parallel_loop3A_310 : i32
      %parallel_loop3A_419 = arith.index_cast %parallel_loop3A_418 : i32 to index
      %parallel_loop3A_420 = arith.constant 80 : index
      %parallel_loop3A_421 = tpu.vector_load %arg11[%parallel_loop3A_419, %parallel_loop3A_420] {strides = array<i32>} : memref<256x128xf32, #tpu.memory_space<vmem>>, vector<1x16xf32>,
      %parallel_loop3A_422 = vector.shape_cast %parallel_loop3A_421 : vector<1x16xf32> to vector<16xf32>
      %parallel_loop3A_423 = arith.addf %parallel_loop3A_416, %parallel_loop3A_422 : vector<16xf32>
      %parallel_loop3A_424 = arith.constant 1 : i32
      %parallel_loop3A_425 = arith.index_cast %parallel_loop3A_424 : i32 to index
      %parallel_loop3A_426 = arith.index_cast %parallel_loop3A_310 : i32 to index
      %parallel_loop3A_427 = arith.constant 80 : index
      %parallel_loop3A_428 = tpu.vector_load %arg10[%parallel_loop3A_425, %parallel_loop3A_426, %parallel_loop3A_427] {strides = array<i32>} : memref<2x64x128xf32, #tpu.memory_space<vmem>>, vector<1x1x16xf32>,
      %parallel_loop3A_429 = vector.shape_cast %parallel_loop3A_428 : vector<1x1x16xf32> to vector<16xf32>
      %parallel_loop3A_430 = vector.shape_cast %parallel_loop3A_423 : vector<16xf32> to vector<1x1x16xf32>
      tpu.vector_store %arg10[%parallel_loop3A_425, %parallel_loop3A_426, %parallel_loop3A_427], %parallel_loop3A_430 {strides = array<i32>} : memref<2x64x128xf32, #tpu.memory_space<vmem>>, vector<1x1x16xf32>,
      %parallel_loop3A_431 = arith.constant 1 : i32
      %parallel_loop3A_432 = arith.index_cast %parallel_loop3A_431 : i32 to index
      %parallel_loop3A_433 = arith.index_cast %parallel_loop3A_310 : i32 to index
      %parallel_loop3A_434 = arith.constant 96 : index
      %parallel_loop3A_435 = tpu.vector_load %arg9[%parallel_loop3A_432, %parallel_loop3A_433, %parallel_loop3A_434] {strides = array<i32>} : memref<4x64x128xf32, #tpu.memory_space<vmem>>, vector<1x1x16xf32>,
      %parallel_loop3A_436 = vector.shape_cast %parallel_loop3A_435 : vector<1x1x16xf32> to vector<16xf32>
      %parallel_loop3A_437 = arith.constant 64 : i32
      %parallel_loop3A_438 = arith.addi %parallel_loop3A_437, %parallel_loop3A_310 : i32
      %parallel_loop3A_439 = arith.index_cast %parallel_loop3A_438 : i32 to index
      %parallel_loop3A_440 = arith.constant 96 : index
      %parallel_loop3A_441 = tpu.vector_load %arg11[%parallel_loop3A_439, %parallel_loop3A_440] {strides = array<i32>} : memref<256x128xf32, #tpu.memory_space<vmem>>, vector<1x16xf32>,
      %parallel_loop3A_442 = vector.shape_cast %parallel_loop3A_441 : vector<1x16xf32> to vector<16xf32>
      %parallel_loop3A_443 = arith.addf %parallel_loop3A_436, %parallel_loop3A_442 : vector<16xf32>
      %parallel_loop3A_444 = arith.constant 1 : i32
      %parallel_loop3A_445 = arith.index_cast %parallel_loop3A_444 : i32 to index
      %parallel_loop3A_446 = arith.index_cast %parallel_loop3A_310 : i32 to index
      %parallel_loop3A_447 = arith.constant 96 : index
      %parallel_loop3A_448 = tpu.vector_load %arg10[%parallel_loop3A_445, %parallel_loop3A_446, %parallel_loop3A_447] {strides = array<i32>} : memref<2x64x128xf32, #tpu.memory_space<vmem>>, vector<1x1x16xf32>,
      %parallel_loop3A_449 = vector.shape_cast %parallel_loop3A_448 : vector<1x1x16xf32> to vector<16xf32>
      %parallel_loop3A_450 = vector.shape_cast %parallel_loop3A_443 : vector<16xf32> to vector<1x1x16xf32>
      tpu.vector_store %arg10[%parallel_loop3A_445, %parallel_loop3A_446, %parallel_loop3A_447], %parallel_loop3A_450 {strides = array<i32>} : memref<2x64x128xf32, #tpu.memory_space<vmem>>, vector<1x1x16xf32>,
      %parallel_loop3A_451 = arith.constant 1 : i32
      %parallel_loop3A_452 = arith.index_cast %parallel_loop3A_451 : i32 to index
      %parallel_loop3A_453 = arith.index_cast %parallel_loop3A_310 : i32 to index
      %parallel_loop3A_454 = arith.constant 112 : index
      %parallel_loop3A_455 = tpu.vector_load %arg9[%parallel_loop3A_452, %parallel_loop3A_453, %parallel_loop3A_454] {strides = array<i32>} : memref<4x64x128xf32, #tpu.memory_space<vmem>>, vector<1x1x16xf32>,
      %parallel_loop3A_456 = vector.shape_cast %parallel_loop3A_455 : vector<1x1x16xf32> to vector<16xf32>
      %parallel_loop3A_457 = arith.constant 64 : i32
      %parallel_loop3A_458 = arith.addi %parallel_loop3A_457, %parallel_loop3A_310 : i32
      %parallel_loop3A_459 = arith.index_cast %parallel_loop3A_458 : i32 to index
      %parallel_loop3A_460 = arith.constant 112 : index
      %parallel_loop3A_461 = tpu.vector_load %arg11[%parallel_loop3A_459, %parallel_loop3A_460] {strides = array<i32>} : memref<256x128xf32, #tpu.memory_space<vmem>>, vector<1x16xf32>,
      %parallel_loop3A_462 = vector.shape_cast %parallel_loop3A_461 : vector<1x16xf32> to vector<16xf32>
      %parallel_loop3A_463 = arith.addf %parallel_loop3A_456, %parallel_loop3A_462 : vector<16xf32>
      %parallel_loop3A_464 = arith.constant 1 : i32
      %parallel_loop3A_465 = arith.index_cast %parallel_loop3A_464 : i32 to index
      %parallel_loop3A_466 = arith.index_cast %parallel_loop3A_310 : i32 to index
      %parallel_loop3A_467 = arith.constant 112 : index
      %parallel_loop3A_468 = tpu.vector_load %arg10[%parallel_loop3A_465, %parallel_loop3A_466, %parallel_loop3A_467] {strides = array<i32>} : memref<2x64x128xf32, #tpu.memory_space<vmem>>, vector<1x1x16xf32>,
      %parallel_loop3A_469 = vector.shape_cast %parallel_loop3A_468 : vector<1x1x16xf32> to vector<16xf32>
      %parallel_loop3A_470 = vector.shape_cast %parallel_loop3A_463 : vector<16xf32> to vector<1x1x16xf32>
      tpu.vector_store %arg10[%parallel_loop3A_465, %parallel_loop3A_466, %parallel_loop3A_467], %parallel_loop3A_470 {strides = array<i32>} : memref<2x64x128xf32, #tpu.memory_space<vmem>>, vector<1x1x16xf32>,
    } {sc.loop_unroll_factor = 2 : i64, sc.parallel_access}
    %add3A_173 = arith.constant 64 : i32
    %add3A_174 = arith.addi %mul3A_32, %add3A_173 : i32
    %dma_start3A_175 = arith.constant 1 : i32
    %dma_start3A_176 = arith.constant 0 : i32
    %dma_start3A_177 = arith.constant 0 : i32
    %dma_start3A_178 = tpu.memref_slice %arg10[%dma_start3A_175, %dma_start3A_176, %dma_start3A_177] : memref<2x64x128xf32, #tpu.memory_space<vmem>> -> memref<1x64x128xf32, #tpu.memory_space<vmem>>
    %dma_start3A_179 = tpu.memref_squeeze %dma_start3A_178 : memref<1x64x128xf32, #tpu.memory_space<vmem>> -> memref<64x128xf32, #tpu.memory_space<vmem>>
    %dma_start3A_180 = arith.constant 0 : i32
    %dma_start3A_181 = tpu.memref_slice %arg6[%select_n3A, %add3A_174, %dma_start3A_180] : memref<4x2048x128xf32, #tpu.memory_space<hbm>> -> memref<1x64x128xf32, #tpu.memory_space<hbm>>
    %dma_start3A_182 = tpu.memref_squeeze %dma_start3A_181 : memref<1x64x128xf32, #tpu.memory_space<hbm>> -> memref<64x128xf32, #tpu.memory_space<hbm>>
    %dma_start3A_183 = arith.constant 0 : i32
    %dma_start3A_184 = tpu.memref_slice %arg6[%select_n3A, %add3A_174, %dma_start3A_183] : memref<4x2048x128xf32, #tpu.memory_space<hbm>> -> memref<1x64x128xf32, #tpu.memory_space<hbm>>
    %dma_start3A_185 = tpu.memref_squeeze %dma_start3A_184 : memref<1x64x128xf32, #tpu.memory_space<hbm>> -> memref<64x128xf32, #tpu.memory_space<hbm>>
    %dma_start3A_186 = arith.constant 0 : i32
    %dma_start3A_187 = arith.constant 0 : i32
    %dma_start3A_188 = tpu.memref_slice %arg10[%dma_start3A_175, %dma_start3A_186, %dma_start3A_187] : memref<2x64x128xf32, #tpu.memory_space<vmem>> -> memref<1x64x128xf32, #tpu.memory_space<vmem>>
    %dma_start3A_189 = tpu.memref_squeeze %dma_start3A_188 : memref<1x64x128xf32, #tpu.memory_space<vmem>> -> memref<64x128xf32, #tpu.memory_space<vmem>>
    tpu.enqueue_dma source(%dma_start3A_189 : memref<64x128xf32, #tpu.memory_space<vmem>>) target(%dma_start3A_185 : memref<64x128xf32, #tpu.memory_space<hbm>>) target_semaphore(%arg25 : memref<!tpu.dma_semaphore, #tpu.memory_space<semaphore_mem>>)
    %dma_wait3A_190 = arith.constant 2 : i32
    %dma_wait3A_191 = arith.constant 0 : i32
    %dma_wait3A_192 = arith.constant 0 : i32
    %dma_wait3A_193 = tpu.memref_slice %arg9[%dma_wait3A_190, %dma_wait3A_191, %dma_wait3A_192] : memref<4x64x128xf32, #tpu.memory_space<vmem>> -> memref<1x64x128xf32, #tpu.memory_space<vmem>>
    %dma_wait3A_194 = tpu.memref_squeeze %dma_wait3A_193 : memref<1x64x128xf32, #tpu.memory_space<vmem>> -> memref<64x128xf32, #tpu.memory_space<vmem>>
    %dma_wait3A_195 = arith.constant 128 : i32
    %dma_wait3A_196 = tpu.memref_slice %arg7[%dma_wait3A_195] : memref<256xi32, #tpu.memory_space<vmem>> -> memref<64xi32, #tpu.memory_space<vmem>>
    %dma_wait3A_197 = arith.constant 0 : i32
    %dma_wait3A_198 = arith.constant 0 : i32
    %dma_wait3A_199 = tpu.memref_slice %arg2[%dma_wait3A_197, %dma_wait3A_198] : memref<100000x128xf32, #tpu.memory_space<hbm>> -> memref<100000x128xf32, #tpu.memory_space<hbm>>
    tpu.wait_indirect_dma semaphore(%arg18 : memref<!tpu.dma_semaphore, #tpu.memory_space<semaphore_mem>>) src(%dma_wait3A_199 : memref<100000x128xf32, #tpu.memory_space<hbm>>) dst(%dma_wait3A_194 : memref<64x128xf32, #tpu.memory_space<vmem>>)
    %dma_wait3A_200 = arith.constant 0 : i32
    %dma_wait3A_201 = arith.constant 0 : i32
    %dma_wait3A_202 = arith.constant 0 : i32
    %dma_wait3A_203 = tpu.memref_slice %arg10[%dma_wait3A_200, %dma_wait3A_201, %dma_wait3A_202] : memref<2x64x128xf32, #tpu.memory_space<vmem>> -> memref<1x64x128xf32, #tpu.memory_space<vmem>>
    %dma_wait3A_204 = tpu.memref_squeeze %dma_wait3A_203 : memref<1x64x128xf32, #tpu.memory_space<vmem>> -> memref<64x128xf32, #tpu.memory_space<vmem>>
    %dma_wait3A_205 = arith.constant 0 : i32
    %dma_wait3A_206 = tpu.memref_slice %arg6[%select_n3A, %add3A_136, %dma_wait3A_205] : memref<4x2048x128xf32, #tpu.memory_space<hbm>> -> memref<1x64x128xf32, #tpu.memory_space<hbm>>
    %dma_wait3A_207 = tpu.memref_squeeze %dma_wait3A_206 : memref<1x64x128xf32, #tpu.memory_space<hbm>> -> memref<64x128xf32, #tpu.memory_space<hbm>>
    %dma_wait3A_208 = arith.constant 0 : i32
    %dma_wait3A_209 = tpu.memref_slice %arg6[%select_n3A, %add3A_136, %dma_wait3A_208] : memref<4x2048x128xf32, #tpu.memory_space<hbm>> -> memref<1x64x128xf32, #tpu.memory_space<hbm>>
    %dma_wait3A_210 = tpu.memref_squeeze %dma_wait3A_209 : memref<1x64x128xf32, #tpu.memory_space<hbm>> -> memref<64x128xf32, #tpu.memory_space<hbm>>
    %dma_wait3A_211 = arith.constant 0 : i32
    %dma_wait3A_212 = arith.constant 0 : i32
    %dma_wait3A_213 = tpu.memref_slice %arg10[%dma_wait3A_200, %dma_wait3A_211, %dma_wait3A_212] : memref<2x64x128xf32, #tpu.memory_space<vmem>> -> memref<1x64x128xf32, #tpu.memory_space<vmem>>
    %dma_wait3A_214 = tpu.memref_squeeze %dma_wait3A_213 : memref<1x64x128xf32, #tpu.memory_space<vmem>> -> memref<64x128xf32, #tpu.memory_space<vmem>>
    tpu.wait_dma2 semaphore(%arg24 : memref<!tpu.dma_semaphore, #tpu.memory_space<semaphore_mem>>) src(%dma_wait3A_214 : memref<64x128xf32, #tpu.memory_space<vmem>>) dst(%dma_wait3A_210 : memref<64x128xf32, #tpu.memory_space<hbm>>)
    %parallel_loop3A_215 = arith.constant 0 : i32
    %parallel_loop3A_216 = arith.constant 64 : i32
    %parallel_loop3A_217 = arith.constant 1 : i32
    scf.for %parallel_loop3A_310 = %parallel_loop3A_215 to %parallel_loop3A_216 step %parallel_loop3A_217  : i32 {
      %parallel_loop3A_311 = arith.constant 2 : i32
      %parallel_loop3A_312 = arith.index_cast %parallel_loop3A_311 : i32 to index
      %parallel_loop3A_313 = arith.index_cast %parallel_loop3A_310 : i32 to index
      %parallel_loop3A_314 = arith.constant 0 : index
      %parallel_loop3A_315 = tpu.vector_load %arg9[%parallel_loop3A_312, %parallel_loop3A_313, %parallel_loop3A_314] {strides = array<i32>} : memref<4x64x128xf32, #tpu.memory_space<vmem>>, vector<1x1x16xf32>,
      %parallel_loop3A_316 = vector.shape_cast %parallel_loop3A_315 : vector<1x1x16xf32> to vector<16xf32>
      %parallel_loop3A_317 = arith.constant 128 : i32
      %parallel_loop3A_318 = arith.addi %parallel_loop3A_317, %parallel_loop3A_310 : i32
      %parallel_loop3A_319 = arith.index_cast %parallel_loop3A_318 : i32 to index
      %parallel_loop3A_320 = arith.constant 0 : index
      %parallel_loop3A_321 = tpu.vector_load %arg11[%parallel_loop3A_319, %parallel_loop3A_320] {strides = array<i32>} : memref<256x128xf32, #tpu.memory_space<vmem>>, vector<1x16xf32>,
      %parallel_loop3A_322 = vector.shape_cast %parallel_loop3A_321 : vector<1x16xf32> to vector<16xf32>
      %parallel_loop3A_323 = arith.addf %parallel_loop3A_316, %parallel_loop3A_322 : vector<16xf32>
      %parallel_loop3A_324 = arith.constant 0 : i32
      %parallel_loop3A_325 = arith.index_cast %parallel_loop3A_324 : i32 to index
      %parallel_loop3A_326 = arith.index_cast %parallel_loop3A_310 : i32 to index
      %parallel_loop3A_327 = arith.constant 0 : index
      %parallel_loop3A_328 = tpu.vector_load %arg10[%parallel_loop3A_325, %parallel_loop3A_326, %parallel_loop3A_327] {strides = array<i32>} : memref<2x64x128xf32, #tpu.memory_space<vmem>>, vector<1x1x16xf32>,
      %parallel_loop3A_329 = vector.shape_cast %parallel_loop3A_328 : vector<1x1x16xf32> to vector<16xf32>
      %parallel_loop3A_330 = vector.shape_cast %parallel_loop3A_323 : vector<16xf32> to vector<1x1x16xf32>
      tpu.vector_store %arg10[%parallel_loop3A_325, %parallel_loop3A_326, %parallel_loop3A_327], %parallel_loop3A_330 {strides = array<i32>} : memref<2x64x128xf32, #tpu.memory_space<vmem>>, vector<1x1x16xf32>,
      %parallel_loop3A_331 = arith.constant 2 : i32
      %parallel_loop3A_332 = arith.index_cast %parallel_loop3A_331 : i32 to index
      %parallel_loop3A_333 = arith.index_cast %parallel_loop3A_310 : i32 to index
      %parallel_loop3A_334 = arith.constant 16 : index
      %parallel_loop3A_335 = tpu.vector_load %arg9[%parallel_loop3A_332, %parallel_loop3A_333, %parallel_loop3A_334] {strides = array<i32>} : memref<4x64x128xf32, #tpu.memory_space<vmem>>, vector<1x1x16xf32>,
      %parallel_loop3A_336 = vector.shape_cast %parallel_loop3A_335 : vector<1x1x16xf32> to vector<16xf32>
      %parallel_loop3A_337 = arith.constant 128 : i32
      %parallel_loop3A_338 = arith.addi %parallel_loop3A_337, %parallel_loop3A_310 : i32
      %parallel_loop3A_339 = arith.index_cast %parallel_loop3A_338 : i32 to index
      %parallel_loop3A_340 = arith.constant 16 : index
      %parallel_loop3A_341 = tpu.vector_load %arg11[%parallel_loop3A_339, %parallel_loop3A_340] {strides = array<i32>} : memref<256x128xf32, #tpu.memory_space<vmem>>, vector<1x16xf32>,
      %parallel_loop3A_342 = vector.shape_cast %parallel_loop3A_341 : vector<1x16xf32> to vector<16xf32>
      %parallel_loop3A_343 = arith.addf %parallel_loop3A_336, %parallel_loop3A_342 : vector<16xf32>
      %parallel_loop3A_344 = arith.constant 0 : i32
      %parallel_loop3A_345 = arith.index_cast %parallel_loop3A_344 : i32 to index
      %parallel_loop3A_346 = arith.index_cast %parallel_loop3A_310 : i32 to index
      %parallel_loop3A_347 = arith.constant 16 : index
      %parallel_loop3A_348 = tpu.vector_load %arg10[%parallel_loop3A_345, %parallel_loop3A_346, %parallel_loop3A_347] {strides = array<i32>} : memref<2x64x128xf32, #tpu.memory_space<vmem>>, vector<1x1x16xf32>,
      %parallel_loop3A_349 = vector.shape_cast %parallel_loop3A_348 : vector<1x1x16xf32> to vector<16xf32>
      %parallel_loop3A_350 = vector.shape_cast %parallel_loop3A_343 : vector<16xf32> to vector<1x1x16xf32>
      tpu.vector_store %arg10[%parallel_loop3A_345, %parallel_loop3A_346, %parallel_loop3A_347], %parallel_loop3A_350 {strides = array<i32>} : memref<2x64x128xf32, #tpu.memory_space<vmem>>, vector<1x1x16xf32>,
      %parallel_loop3A_351 = arith.constant 2 : i32
      %parallel_loop3A_352 = arith.index_cast %parallel_loop3A_351 : i32 to index
      %parallel_loop3A_353 = arith.index_cast %parallel_loop3A_310 : i32 to index
      %parallel_loop3A_354 = arith.constant 32 : index
      %parallel_loop3A_355 = tpu.vector_load %arg9[%parallel_loop3A_352, %parallel_loop3A_353, %parallel_loop3A_354] {strides = array<i32>} : memref<4x64x128xf32, #tpu.memory_space<vmem>>, vector<1x1x16xf32>,
      %parallel_loop3A_356 = vector.shape_cast %parallel_loop3A_355 : vector<1x1x16xf32> to vector<16xf32>
      %parallel_loop3A_357 = arith.constant 128 : i32
      %parallel_loop3A_358 = arith.addi %parallel_loop3A_357, %parallel_loop3A_310 : i32
      %parallel_loop3A_359 = arith.index_cast %parallel_loop3A_358 : i32 to index
      %parallel_loop3A_360 = arith.constant 32 : index
      %parallel_loop3A_361 = tpu.vector_load %arg11[%parallel_loop3A_359, %parallel_loop3A_360] {strides = array<i32>} : memref<256x128xf32, #tpu.memory_space<vmem>>, vector<1x16xf32>,
      %parallel_loop3A_362 = vector.shape_cast %parallel_loop3A_361 : vector<1x16xf32> to vector<16xf32>
      %parallel_loop3A_363 = arith.addf %parallel_loop3A_356, %parallel_loop3A_362 : vector<16xf32>
      %parallel_loop3A_364 = arith.constant 0 : i32
      %parallel_loop3A_365 = arith.index_cast %parallel_loop3A_364 : i32 to index
      %parallel_loop3A_366 = arith.index_cast %parallel_loop3A_310 : i32 to index
      %parallel_loop3A_367 = arith.constant 32 : index
      %parallel_loop3A_368 = tpu.vector_load %arg10[%parallel_loop3A_365, %parallel_loop3A_366, %parallel_loop3A_367] {strides = array<i32>} : memref<2x64x128xf32, #tpu.memory_space<vmem>>, vector<1x1x16xf32>,
      %parallel_loop3A_369 = vector.shape_cast %parallel_loop3A_368 : vector<1x1x16xf32> to vector<16xf32>
      %parallel_loop3A_370 = vector.shape_cast %parallel_loop3A_363 : vector<16xf32> to vector<1x1x16xf32>
      tpu.vector_store %arg10[%parallel_loop3A_365, %parallel_loop3A_366, %parallel_loop3A_367], %parallel_loop3A_370 {strides = array<i32>} : memref<2x64x128xf32, #tpu.memory_space<vmem>>, vector<1x1x16xf32>,
      %parallel_loop3A_371 = arith.constant 2 : i32
      %parallel_loop3A_372 = arith.index_cast %parallel_loop3A_371 : i32 to index
      %parallel_loop3A_373 = arith.index_cast %parallel_loop3A_310 : i32 to index
      %parallel_loop3A_374 = arith.constant 48 : index
      %parallel_loop3A_375 = tpu.vector_load %arg9[%parallel_loop3A_372, %parallel_loop3A_373, %parallel_loop3A_374] {strides = array<i32>} : memref<4x64x128xf32, #tpu.memory_space<vmem>>, vector<1x1x16xf32>,
      %parallel_loop3A_376 = vector.shape_cast %parallel_loop3A_375 : vector<1x1x16xf32> to vector<16xf32>
      %parallel_loop3A_377 = arith.constant 128 : i32
      %parallel_loop3A_378 = arith.addi %parallel_loop3A_377, %parallel_loop3A_310 : i32
      %parallel_loop3A_379 = arith.index_cast %parallel_loop3A_378 : i32 to index
      %parallel_loop3A_380 = arith.constant 48 : index
      %parallel_loop3A_381 = tpu.vector_load %arg11[%parallel_loop3A_379, %parallel_loop3A_380] {strides = array<i32>} : memref<256x128xf32, #tpu.memory_space<vmem>>, vector<1x16xf32>,
      %parallel_loop3A_382 = vector.shape_cast %parallel_loop3A_381 : vector<1x16xf32> to vector<16xf32>
      %parallel_loop3A_383 = arith.addf %parallel_loop3A_376, %parallel_loop3A_382 : vector<16xf32>
      %parallel_loop3A_384 = arith.constant 0 : i32
      %parallel_loop3A_385 = arith.index_cast %parallel_loop3A_384 : i32 to index
      %parallel_loop3A_386 = arith.index_cast %parallel_loop3A_310 : i32 to index
      %parallel_loop3A_387 = arith.constant 48 : index
      %parallel_loop3A_388 = tpu.vector_load %arg10[%parallel_loop3A_385, %parallel_loop3A_386, %parallel_loop3A_387] {strides = array<i32>} : memref<2x64x128xf32, #tpu.memory_space<vmem>>, vector<1x1x16xf32>,
      %parallel_loop3A_389 = vector.shape_cast %parallel_loop3A_388 : vector<1x1x16xf32> to vector<16xf32>
      %parallel_loop3A_390 = vector.shape_cast %parallel_loop3A_383 : vector<16xf32> to vector<1x1x16xf32>
      tpu.vector_store %arg10[%parallel_loop3A_385, %parallel_loop3A_386, %parallel_loop3A_387], %parallel_loop3A_390 {strides = array<i32>} : memref<2x64x128xf32, #tpu.memory_space<vmem>>, vector<1x1x16xf32>,
      %parallel_loop3A_391 = arith.constant 2 : i32
      %parallel_loop3A_392 = arith.index_cast %parallel_loop3A_391 : i32 to index
      %parallel_loop3A_393 = arith.index_cast %parallel_loop3A_310 : i32 to index
      %parallel_loop3A_394 = arith.constant 64 : index
      %parallel_loop3A_395 = tpu.vector_load %arg9[%parallel_loop3A_392, %parallel_loop3A_393, %parallel_loop3A_394] {strides = array<i32>} : memref<4x64x128xf32, #tpu.memory_space<vmem>>, vector<1x1x16xf32>,
      %parallel_loop3A_396 = vector.shape_cast %parallel_loop3A_395 : vector<1x1x16xf32> to vector<16xf32>
      %parallel_loop3A_397 = arith.constant 128 : i32
      %parallel_loop3A_398 = arith.addi %parallel_loop3A_397, %parallel_loop3A_310 : i32
      %parallel_loop3A_399 = arith.index_cast %parallel_loop3A_398 : i32 to index
      %parallel_loop3A_400 = arith.constant 64 : index
      %parallel_loop3A_401 = tpu.vector_load %arg11[%parallel_loop3A_399, %parallel_loop3A_400] {strides = array<i32>} : memref<256x128xf32, #tpu.memory_space<vmem>>, vector<1x16xf32>,
      %parallel_loop3A_402 = vector.shape_cast %parallel_loop3A_401 : vector<1x16xf32> to vector<16xf32>
      %parallel_loop3A_403 = arith.addf %parallel_loop3A_396, %parallel_loop3A_402 : vector<16xf32>
      %parallel_loop3A_404 = arith.constant 0 : i32
      %parallel_loop3A_405 = arith.index_cast %parallel_loop3A_404 : i32 to index
      %parallel_loop3A_406 = arith.index_cast %parallel_loop3A_310 : i32 to index
      %parallel_loop3A_407 = arith.constant 64 : index
      %parallel_loop3A_408 = tpu.vector_load %arg10[%parallel_loop3A_405, %parallel_loop3A_406, %parallel_loop3A_407] {strides = array<i32>} : memref<2x64x128xf32, #tpu.memory_space<vmem>>, vector<1x1x16xf32>,
      %parallel_loop3A_409 = vector.shape_cast %parallel_loop3A_408 : vector<1x1x16xf32> to vector<16xf32>
      %parallel_loop3A_410 = vector.shape_cast %parallel_loop3A_403 : vector<16xf32> to vector<1x1x16xf32>
      tpu.vector_store %arg10[%parallel_loop3A_405, %parallel_loop3A_406, %parallel_loop3A_407], %parallel_loop3A_410 {strides = array<i32>} : memref<2x64x128xf32, #tpu.memory_space<vmem>>, vector<1x1x16xf32>,
      %parallel_loop3A_411 = arith.constant 2 : i32
      %parallel_loop3A_412 = arith.index_cast %parallel_loop3A_411 : i32 to index
      %parallel_loop3A_413 = arith.index_cast %parallel_loop3A_310 : i32 to index
      %parallel_loop3A_414 = arith.constant 80 : index
      %parallel_loop3A_415 = tpu.vector_load %arg9[%parallel_loop3A_412, %parallel_loop3A_413, %parallel_loop3A_414] {strides = array<i32>} : memref<4x64x128xf32, #tpu.memory_space<vmem>>, vector<1x1x16xf32>,
      %parallel_loop3A_416 = vector.shape_cast %parallel_loop3A_415 : vector<1x1x16xf32> to vector<16xf32>
      %parallel_loop3A_417 = arith.constant 128 : i32
      %parallel_loop3A_418 = arith.addi %parallel_loop3A_417, %parallel_loop3A_310 : i32
      %parallel_loop3A_419 = arith.index_cast %parallel_loop3A_418 : i32 to index
      %parallel_loop3A_420 = arith.constant 80 : index
      %parallel_loop3A_421 = tpu.vector_load %arg11[%parallel_loop3A_419, %parallel_loop3A_420] {strides = array<i32>} : memref<256x128xf32, #tpu.memory_space<vmem>>, vector<1x16xf32>,
      %parallel_loop3A_422 = vector.shape_cast %parallel_loop3A_421 : vector<1x16xf32> to vector<16xf32>
      %parallel_loop3A_423 = arith.addf %parallel_loop3A_416, %parallel_loop3A_422 : vector<16xf32>
      %parallel_loop3A_424 = arith.constant 0 : i32
      %parallel_loop3A_425 = arith.index_cast %parallel_loop3A_424 : i32 to index
      %parallel_loop3A_426 = arith.index_cast %parallel_loop3A_310 : i32 to index
      %parallel_loop3A_427 = arith.constant 80 : index
      %parallel_loop3A_428 = tpu.vector_load %arg10[%parallel_loop3A_425, %parallel_loop3A_426, %parallel_loop3A_427] {strides = array<i32>} : memref<2x64x128xf32, #tpu.memory_space<vmem>>, vector<1x1x16xf32>,
      %parallel_loop3A_429 = vector.shape_cast %parallel_loop3A_428 : vector<1x1x16xf32> to vector<16xf32>
      %parallel_loop3A_430 = vector.shape_cast %parallel_loop3A_423 : vector<16xf32> to vector<1x1x16xf32>
      tpu.vector_store %arg10[%parallel_loop3A_425, %parallel_loop3A_426, %parallel_loop3A_427], %parallel_loop3A_430 {strides = array<i32>} : memref<2x64x128xf32, #tpu.memory_space<vmem>>, vector<1x1x16xf32>,
      %parallel_loop3A_431 = arith.constant 2 : i32
      %parallel_loop3A_432 = arith.index_cast %parallel_loop3A_431 : i32 to index
      %parallel_loop3A_433 = arith.index_cast %parallel_loop3A_310 : i32 to index
      %parallel_loop3A_434 = arith.constant 96 : index
      %parallel_loop3A_435 = tpu.vector_load %arg9[%parallel_loop3A_432, %parallel_loop3A_433, %parallel_loop3A_434] {strides = array<i32>} : memref<4x64x128xf32, #tpu.memory_space<vmem>>, vector<1x1x16xf32>,
      %parallel_loop3A_436 = vector.shape_cast %parallel_loop3A_435 : vector<1x1x16xf32> to vector<16xf32>
      %parallel_loop3A_437 = arith.constant 128 : i32
      %parallel_loop3A_438 = arith.addi %parallel_loop3A_437, %parallel_loop3A_310 : i32
      %parallel_loop3A_439 = arith.index_cast %parallel_loop3A_438 : i32 to index
      %parallel_loop3A_440 = arith.constant 96 : index
      %parallel_loop3A_441 = tpu.vector_load %arg11[%parallel_loop3A_439, %parallel_loop3A_440] {strides = array<i32>} : memref<256x128xf32, #tpu.memory_space<vmem>>, vector<1x16xf32>,
      %parallel_loop3A_442 = vector.shape_cast %parallel_loop3A_441 : vector<1x16xf32> to vector<16xf32>
      %parallel_loop3A_443 = arith.addf %parallel_loop3A_436, %parallel_loop3A_442 : vector<16xf32>
      %parallel_loop3A_444 = arith.constant 0 : i32
      %parallel_loop3A_445 = arith.index_cast %parallel_loop3A_444 : i32 to index
      %parallel_loop3A_446 = arith.index_cast %parallel_loop3A_310 : i32 to index
      %parallel_loop3A_447 = arith.constant 96 : index
      %parallel_loop3A_448 = tpu.vector_load %arg10[%parallel_loop3A_445, %parallel_loop3A_446, %parallel_loop3A_447] {strides = array<i32>} : memref<2x64x128xf32, #tpu.memory_space<vmem>>, vector<1x1x16xf32>,
      %parallel_loop3A_449 = vector.shape_cast %parallel_loop3A_448 : vector<1x1x16xf32> to vector<16xf32>
      %parallel_loop3A_450 = vector.shape_cast %parallel_loop3A_443 : vector<16xf32> to vector<1x1x16xf32>
      tpu.vector_store %arg10[%parallel_loop3A_445, %parallel_loop3A_446, %parallel_loop3A_447], %parallel_loop3A_450 {strides = array<i32>} : memref<2x64x128xf32, #tpu.memory_space<vmem>>, vector<1x1x16xf32>,
      %parallel_loop3A_451 = arith.constant 2 : i32
      %parallel_loop3A_452 = arith.index_cast %parallel_loop3A_451 : i32 to index
      %parallel_loop3A_453 = arith.index_cast %parallel_loop3A_310 : i32 to index
      %parallel_loop3A_454 = arith.constant 112 : index
      %parallel_loop3A_455 = tpu.vector_load %arg9[%parallel_loop3A_452, %parallel_loop3A_453, %parallel_loop3A_454] {strides = array<i32>} : memref<4x64x128xf32, #tpu.memory_space<vmem>>, vector<1x1x16xf32>,
      %parallel_loop3A_456 = vector.shape_cast %parallel_loop3A_455 : vector<1x1x16xf32> to vector<16xf32>
      %parallel_loop3A_457 = arith.constant 128 : i32
      %parallel_loop3A_458 = arith.addi %parallel_loop3A_457, %parallel_loop3A_310 : i32
      %parallel_loop3A_459 = arith.index_cast %parallel_loop3A_458 : i32 to index
      %parallel_loop3A_460 = arith.constant 112 : index
      %parallel_loop3A_461 = tpu.vector_load %arg11[%parallel_loop3A_459, %parallel_loop3A_460] {strides = array<i32>} : memref<256x128xf32, #tpu.memory_space<vmem>>, vector<1x16xf32>,
      %parallel_loop3A_462 = vector.shape_cast %parallel_loop3A_461 : vector<1x16xf32> to vector<16xf32>
      %parallel_loop3A_463 = arith.addf %parallel_loop3A_456, %parallel_loop3A_462 : vector<16xf32>
      %parallel_loop3A_464 = arith.constant 0 : i32
      %parallel_loop3A_465 = arith.index_cast %parallel_loop3A_464 : i32 to index
      %parallel_loop3A_466 = arith.index_cast %parallel_loop3A_310 : i32 to index
      %parallel_loop3A_467 = arith.constant 112 : index
      %parallel_loop3A_468 = tpu.vector_load %arg10[%parallel_loop3A_465, %parallel_loop3A_466, %parallel_loop3A_467] {strides = array<i32>} : memref<2x64x128xf32, #tpu.memory_space<vmem>>, vector<1x1x16xf32>,
      %parallel_loop3A_469 = vector.shape_cast %parallel_loop3A_468 : vector<1x1x16xf32> to vector<16xf32>
      %parallel_loop3A_470 = vector.shape_cast %parallel_loop3A_463 : vector<16xf32> to vector<1x1x16xf32>
      tpu.vector_store %arg10[%parallel_loop3A_465, %parallel_loop3A_466, %parallel_loop3A_467], %parallel_loop3A_470 {strides = array<i32>} : memref<2x64x128xf32, #tpu.memory_space<vmem>>, vector<1x1x16xf32>,
    } {sc.loop_unroll_factor = 2 : i64, sc.parallel_access}
    %add3A_218 = arith.constant 128 : i32
    %add3A_219 = arith.addi %mul3A_32, %add3A_218 : i32
    %dma_start3A_220 = arith.constant 0 : i32
    %dma_start3A_221 = arith.constant 0 : i32
    %dma_start3A_222 = arith.constant 0 : i32
    %dma_start3A_223 = tpu.memref_slice %arg10[%dma_start3A_220, %dma_start3A_221, %dma_start3A_222] : memref<2x64x128xf32, #tpu.memory_space<vmem>> -> memref<1x64x128xf32, #tpu.memory_space<vmem>>
    %dma_start3A_224 = tpu.memref_squeeze %dma_start3A_223 : memref<1x64x128xf32, #tpu.memory_space<vmem>> -> memref<64x128xf32, #tpu.memory_space<vmem>>
    %dma_start3A_225 = arith.constant 0 : i32
    %dma_start3A_226 = tpu.memref_slice %arg6[%select_n3A, %add3A_219, %dma_start3A_225] : memref<4x2048x128xf32, #tpu.memory_space<hbm>> -> memref<1x64x128xf32, #tpu.memory_space<hbm>>
    %dma_start3A_227 = tpu.memref_squeeze %dma_start3A_226 : memref<1x64x128xf32, #tpu.memory_space<hbm>> -> memref<64x128xf32, #tpu.memory_space<hbm>>
    %dma_start3A_228 = arith.constant 0 : i32
    %dma_start3A_229 = tpu.memref_slice %arg6[%select_n3A, %add3A_219, %dma_start3A_228] : memref<4x2048x128xf32, #tpu.memory_space<hbm>> -> memref<1x64x128xf32, #tpu.memory_space<hbm>>
    %dma_start3A_230 = tpu.memref_squeeze %dma_start3A_229 : memref<1x64x128xf32, #tpu.memory_space<hbm>> -> memref<64x128xf32, #tpu.memory_space<hbm>>
    %dma_start3A_231 = arith.constant 0 : i32
    %dma_start3A_232 = arith.constant 0 : i32
    %dma_start3A_233 = tpu.memref_slice %arg10[%dma_start3A_220, %dma_start3A_231, %dma_start3A_232] : memref<2x64x128xf32, #tpu.memory_space<vmem>> -> memref<1x64x128xf32, #tpu.memory_space<vmem>>
    %dma_start3A_234 = tpu.memref_squeeze %dma_start3A_233 : memref<1x64x128xf32, #tpu.memory_space<vmem>> -> memref<64x128xf32, #tpu.memory_space<vmem>>
    tpu.enqueue_dma source(%dma_start3A_234 : memref<64x128xf32, #tpu.memory_space<vmem>>) target(%dma_start3A_230 : memref<64x128xf32, #tpu.memory_space<hbm>>) target_semaphore(%arg24 : memref<!tpu.dma_semaphore, #tpu.memory_space<semaphore_mem>>)
    %dma_wait3A_235 = arith.constant 3 : i32
    %dma_wait3A_236 = arith.constant 0 : i32
    %dma_wait3A_237 = arith.constant 0 : i32
    %dma_wait3A_238 = tpu.memref_slice %arg9[%dma_wait3A_235, %dma_wait3A_236, %dma_wait3A_237] : memref<4x64x128xf32, #tpu.memory_space<vmem>> -> memref<1x64x128xf32, #tpu.memory_space<vmem>>
    %dma_wait3A_239 = tpu.memref_squeeze %dma_wait3A_238 : memref<1x64x128xf32, #tpu.memory_space<vmem>> -> memref<64x128xf32, #tpu.memory_space<vmem>>
    %dma_wait3A_240 = arith.constant 192 : i32
    %dma_wait3A_241 = tpu.memref_slice %arg7[%dma_wait3A_240] : memref<256xi32, #tpu.memory_space<vmem>> -> memref<64xi32, #tpu.memory_space<vmem>>
    %dma_wait3A_242 = arith.constant 0 : i32
    %dma_wait3A_243 = arith.constant 0 : i32
    %dma_wait3A_244 = tpu.memref_slice %arg2[%dma_wait3A_242, %dma_wait3A_243] : memref<100000x128xf32, #tpu.memory_space<hbm>> -> memref<100000x128xf32, #tpu.memory_space<hbm>>
    tpu.wait_indirect_dma semaphore(%arg19 : memref<!tpu.dma_semaphore, #tpu.memory_space<semaphore_mem>>) src(%dma_wait3A_244 : memref<100000x128xf32, #tpu.memory_space<hbm>>) dst(%dma_wait3A_239 : memref<64x128xf32, #tpu.memory_space<vmem>>)
    %dma_wait3A_245 = arith.constant 1 : i32
    %dma_wait3A_246 = arith.constant 0 : i32
    %dma_wait3A_247 = arith.constant 0 : i32
    %dma_wait3A_248 = tpu.memref_slice %arg10[%dma_wait3A_245, %dma_wait3A_246, %dma_wait3A_247] : memref<2x64x128xf32, #tpu.memory_space<vmem>> -> memref<1x64x128xf32, #tpu.memory_space<vmem>>
    %dma_wait3A_249 = tpu.memref_squeeze %dma_wait3A_248 : memref<1x64x128xf32, #tpu.memory_space<vmem>> -> memref<64x128xf32, #tpu.memory_space<vmem>>
    %dma_wait3A_250 = arith.constant 0 : i32
    %dma_wait3A_251 = tpu.memref_slice %arg6[%select_n3A, %add3A_174, %dma_wait3A_250] : memref<4x2048x128xf32, #tpu.memory_space<hbm>> -> memref<1x64x128xf32, #tpu.memory_space<hbm>>
    %dma_wait3A_252 = tpu.memref_squeeze %dma_wait3A_251 : memref<1x64x128xf32, #tpu.memory_space<hbm>> -> memref<64x128xf32, #tpu.memory_space<hbm>>
    %dma_wait3A_253 = arith.constant 0 : i32
    %dma_wait3A_254 = tpu.memref_slice %arg6[%select_n3A, %add3A_174, %dma_wait3A_253] : memref<4x2048x128xf32, #tpu.memory_space<hbm>> -> memref<1x64x128xf32, #tpu.memory_space<hbm>>
    %dma_wait3A_255 = tpu.memref_squeeze %dma_wait3A_254 : memref<1x64x128xf32, #tpu.memory_space<hbm>> -> memref<64x128xf32, #tpu.memory_space<hbm>>
    %dma_wait3A_256 = arith.constant 0 : i32
    %dma_wait3A_257 = arith.constant 0 : i32
    %dma_wait3A_258 = tpu.memref_slice %arg10[%dma_wait3A_245, %dma_wait3A_256, %dma_wait3A_257] : memref<2x64x128xf32, #tpu.memory_space<vmem>> -> memref<1x64x128xf32, #tpu.memory_space<vmem>>
    %dma_wait3A_259 = tpu.memref_squeeze %dma_wait3A_258 : memref<1x64x128xf32, #tpu.memory_space<vmem>> -> memref<64x128xf32, #tpu.memory_space<vmem>>
    tpu.wait_dma2 semaphore(%arg25 : memref<!tpu.dma_semaphore, #tpu.memory_space<semaphore_mem>>) src(%dma_wait3A_259 : memref<64x128xf32, #tpu.memory_space<vmem>>) dst(%dma_wait3A_255 : memref<64x128xf32, #tpu.memory_space<hbm>>)
    %parallel_loop3A_260 = arith.constant 0 : i32
    %parallel_loop3A_261 = arith.constant 64 : i32
    %parallel_loop3A_262 = arith.constant 1 : i32
    scf.for %parallel_loop3A_310 = %parallel_loop3A_260 to %parallel_loop3A_261 step %parallel_loop3A_262  : i32 {
      %parallel_loop3A_311 = arith.constant 3 : i32
      %parallel_loop3A_312 = arith.index_cast %parallel_loop3A_311 : i32 to index
      %parallel_loop3A_313 = arith.index_cast %parallel_loop3A_310 : i32 to index
      %parallel_loop3A_314 = arith.constant 0 : index
      %parallel_loop3A_315 = tpu.vector_load %arg9[%parallel_loop3A_312, %parallel_loop3A_313, %parallel_loop3A_314] {strides = array<i32>} : memref<4x64x128xf32, #tpu.memory_space<vmem>>, vector<1x1x16xf32>,
      %parallel_loop3A_316 = vector.shape_cast %parallel_loop3A_315 : vector<1x1x16xf32> to vector<16xf32>
      %parallel_loop3A_317 = arith.constant 192 : i32
      %parallel_loop3A_318 = arith.addi %parallel_loop3A_317, %parallel_loop3A_310 : i32
      %parallel_loop3A_319 = arith.index_cast %parallel_loop3A_318 : i32 to index
      %parallel_loop3A_320 = arith.constant 0 : index
      %parallel_loop3A_321 = tpu.vector_load %arg11[%parallel_loop3A_319, %parallel_loop3A_320] {strides = array<i32>} : memref<256x128xf32, #tpu.memory_space<vmem>>, vector<1x16xf32>,
      %parallel_loop3A_322 = vector.shape_cast %parallel_loop3A_321 : vector<1x16xf32> to vector<16xf32>
      %parallel_loop3A_323 = arith.addf %parallel_loop3A_316, %parallel_loop3A_322 : vector<16xf32>
      %parallel_loop3A_324 = arith.constant 1 : i32
      %parallel_loop3A_325 = arith.index_cast %parallel_loop3A_324 : i32 to index
      %parallel_loop3A_326 = arith.index_cast %parallel_loop3A_310 : i32 to index
      %parallel_loop3A_327 = arith.constant 0 : index
      %parallel_loop3A_328 = tpu.vector_load %arg10[%parallel_loop3A_325, %parallel_loop3A_326, %parallel_loop3A_327] {strides = array<i32>} : memref<2x64x128xf32, #tpu.memory_space<vmem>>, vector<1x1x16xf32>,
      %parallel_loop3A_329 = vector.shape_cast %parallel_loop3A_328 : vector<1x1x16xf32> to vector<16xf32>
      %parallel_loop3A_330 = vector.shape_cast %parallel_loop3A_323 : vector<16xf32> to vector<1x1x16xf32>
      tpu.vector_store %arg10[%parallel_loop3A_325, %parallel_loop3A_326, %parallel_loop3A_327], %parallel_loop3A_330 {strides = array<i32>} : memref<2x64x128xf32, #tpu.memory_space<vmem>>, vector<1x1x16xf32>,
      %parallel_loop3A_331 = arith.constant 3 : i32
      %parallel_loop3A_332 = arith.index_cast %parallel_loop3A_331 : i32 to index
      %parallel_loop3A_333 = arith.index_cast %parallel_loop3A_310 : i32 to index
      %parallel_loop3A_334 = arith.constant 16 : index
      %parallel_loop3A_335 = tpu.vector_load %arg9[%parallel_loop3A_332, %parallel_loop3A_333, %parallel_loop3A_334] {strides = array<i32>} : memref<4x64x128xf32, #tpu.memory_space<vmem>>, vector<1x1x16xf32>,
      %parallel_loop3A_336 = vector.shape_cast %parallel_loop3A_335 : vector<1x1x16xf32> to vector<16xf32>
      %parallel_loop3A_337 = arith.constant 192 : i32
      %parallel_loop3A_338 = arith.addi %parallel_loop3A_337, %parallel_loop3A_310 : i32
      %parallel_loop3A_339 = arith.index_cast %parallel_loop3A_338 : i32 to index
      %parallel_loop3A_340 = arith.constant 16 : index
      %parallel_loop3A_341 = tpu.vector_load %arg11[%parallel_loop3A_339, %parallel_loop3A_340] {strides = array<i32>} : memref<256x128xf32, #tpu.memory_space<vmem>>, vector<1x16xf32>,
      %parallel_loop3A_342 = vector.shape_cast %parallel_loop3A_341 : vector<1x16xf32> to vector<16xf32>
      %parallel_loop3A_343 = arith.addf %parallel_loop3A_336, %parallel_loop3A_342 : vector<16xf32>
      %parallel_loop3A_344 = arith.constant 1 : i32
      %parallel_loop3A_345 = arith.index_cast %parallel_loop3A_344 : i32 to index
      %parallel_loop3A_346 = arith.index_cast %parallel_loop3A_310 : i32 to index
      %parallel_loop3A_347 = arith.constant 16 : index
      %parallel_loop3A_348 = tpu.vector_load %arg10[%parallel_loop3A_345, %parallel_loop3A_346, %parallel_loop3A_347] {strides = array<i32>} : memref<2x64x128xf32, #tpu.memory_space<vmem>>, vector<1x1x16xf32>,
      %parallel_loop3A_349 = vector.shape_cast %parallel_loop3A_348 : vector<1x1x16xf32> to vector<16xf32>
      %parallel_loop3A_350 = vector.shape_cast %parallel_loop3A_343 : vector<16xf32> to vector<1x1x16xf32>
      tpu.vector_store %arg10[%parallel_loop3A_345, %parallel_loop3A_346, %parallel_loop3A_347], %parallel_loop3A_350 {strides = array<i32>} : memref<2x64x128xf32, #tpu.memory_space<vmem>>, vector<1x1x16xf32>,
      %parallel_loop3A_351 = arith.constant 3 : i32
      %parallel_loop3A_352 = arith.index_cast %parallel_loop3A_351 : i32 to index
      %parallel_loop3A_353 = arith.index_cast %parallel_loop3A_310 : i32 to index
      %parallel_loop3A_354 = arith.constant 32 : index
      %parallel_loop3A_355 = tpu.vector_load %arg9[%parallel_loop3A_352, %parallel_loop3A_353, %parallel_loop3A_354] {strides = array<i32>} : memref<4x64x128xf32, #tpu.memory_space<vmem>>, vector<1x1x16xf32>,
      %parallel_loop3A_356 = vector.shape_cast %parallel_loop3A_355 : vector<1x1x16xf32> to vector<16xf32>
      %parallel_loop3A_357 = arith.constant 192 : i32
      %parallel_loop3A_358 = arith.addi %parallel_loop3A_357, %parallel_loop3A_310 : i32
      %parallel_loop3A_359 = arith.index_cast %parallel_loop3A_358 : i32 to index
      %parallel_loop3A_360 = arith.constant 32 : index
      %parallel_loop3A_361 = tpu.vector_load %arg11[%parallel_loop3A_359, %parallel_loop3A_360] {strides = array<i32>} : memref<256x128xf32, #tpu.memory_space<vmem>>, vector<1x16xf32>,
      %parallel_loop3A_362 = vector.shape_cast %parallel_loop3A_361 : vector<1x16xf32> to vector<16xf32>
      %parallel_loop3A_363 = arith.addf %parallel_loop3A_356, %parallel_loop3A_362 : vector<16xf32>
      %parallel_loop3A_364 = arith.constant 1 : i32
      %parallel_loop3A_365 = arith.index_cast %parallel_loop3A_364 : i32 to index
      %parallel_loop3A_366 = arith.index_cast %parallel_loop3A_310 : i32 to index
      %parallel_loop3A_367 = arith.constant 32 : index
      %parallel_loop3A_368 = tpu.vector_load %arg10[%parallel_loop3A_365, %parallel_loop3A_366, %parallel_loop3A_367] {strides = array<i32>} : memref<2x64x128xf32, #tpu.memory_space<vmem>>, vector<1x1x16xf32>,
      %parallel_loop3A_369 = vector.shape_cast %parallel_loop3A_368 : vector<1x1x16xf32> to vector<16xf32>
      %parallel_loop3A_370 = vector.shape_cast %parallel_loop3A_363 : vector<16xf32> to vector<1x1x16xf32>
      tpu.vector_store %arg10[%parallel_loop3A_365, %parallel_loop3A_366, %parallel_loop3A_367], %parallel_loop3A_370 {strides = array<i32>} : memref<2x64x128xf32, #tpu.memory_space<vmem>>, vector<1x1x16xf32>,
      %parallel_loop3A_371 = arith.constant 3 : i32
      %parallel_loop3A_372 = arith.index_cast %parallel_loop3A_371 : i32 to index
      %parallel_loop3A_373 = arith.index_cast %parallel_loop3A_310 : i32 to index
      %parallel_loop3A_374 = arith.constant 48 : index
      %parallel_loop3A_375 = tpu.vector_load %arg9[%parallel_loop3A_372, %parallel_loop3A_373, %parallel_loop3A_374] {strides = array<i32>} : memref<4x64x128xf32, #tpu.memory_space<vmem>>, vector<1x1x16xf32>,
      %parallel_loop3A_376 = vector.shape_cast %parallel_loop3A_375 : vector<1x1x16xf32> to vector<16xf32>
      %parallel_loop3A_377 = arith.constant 192 : i32
      %parallel_loop3A_378 = arith.addi %parallel_loop3A_377, %parallel_loop3A_310 : i32
      %parallel_loop3A_379 = arith.index_cast %parallel_loop3A_378 : i32 to index
      %parallel_loop3A_380 = arith.constant 48 : index
      %parallel_loop3A_381 = tpu.vector_load %arg11[%parallel_loop3A_379, %parallel_loop3A_380] {strides = array<i32>} : memref<256x128xf32, #tpu.memory_space<vmem>>, vector<1x16xf32>,
      %parallel_loop3A_382 = vector.shape_cast %parallel_loop3A_381 : vector<1x16xf32> to vector<16xf32>
      %parallel_loop3A_383 = arith.addf %parallel_loop3A_376, %parallel_loop3A_382 : vector<16xf32>
      %parallel_loop3A_384 = arith.constant 1 : i32
      %parallel_loop3A_385 = arith.index_cast %parallel_loop3A_384 : i32 to index
      %parallel_loop3A_386 = arith.index_cast %parallel_loop3A_310 : i32 to index
      %parallel_loop3A_387 = arith.constant 48 : index
      %parallel_loop3A_388 = tpu.vector_load %arg10[%parallel_loop3A_385, %parallel_loop3A_386, %parallel_loop3A_387] {strides = array<i32>} : memref<2x64x128xf32, #tpu.memory_space<vmem>>, vector<1x1x16xf32>,
      %parallel_loop3A_389 = vector.shape_cast %parallel_loop3A_388 : vector<1x1x16xf32> to vector<16xf32>
      %parallel_loop3A_390 = vector.shape_cast %parallel_loop3A_383 : vector<16xf32> to vector<1x1x16xf32>
      tpu.vector_store %arg10[%parallel_loop3A_385, %parallel_loop3A_386, %parallel_loop3A_387], %parallel_loop3A_390 {strides = array<i32>} : memref<2x64x128xf32, #tpu.memory_space<vmem>>, vector<1x1x16xf32>,
      %parallel_loop3A_391 = arith.constant 3 : i32
      %parallel_loop3A_392 = arith.index_cast %parallel_loop3A_391 : i32 to index
      %parallel_loop3A_393 = arith.index_cast %parallel_loop3A_310 : i32 to index
      %parallel_loop3A_394 = arith.constant 64 : index
      %parallel_loop3A_395 = tpu.vector_load %arg9[%parallel_loop3A_392, %parallel_loop3A_393, %parallel_loop3A_394] {strides = array<i32>} : memref<4x64x128xf32, #tpu.memory_space<vmem>>, vector<1x1x16xf32>,
      %parallel_loop3A_396 = vector.shape_cast %parallel_loop3A_395 : vector<1x1x16xf32> to vector<16xf32>
      %parallel_loop3A_397 = arith.constant 192 : i32
      %parallel_loop3A_398 = arith.addi %parallel_loop3A_397, %parallel_loop3A_310 : i32
      %parallel_loop3A_399 = arith.index_cast %parallel_loop3A_398 : i32 to index
      %parallel_loop3A_400 = arith.constant 64 : index
      %parallel_loop3A_401 = tpu.vector_load %arg11[%parallel_loop3A_399, %parallel_loop3A_400] {strides = array<i32>} : memref<256x128xf32, #tpu.memory_space<vmem>>, vector<1x16xf32>,
      %parallel_loop3A_402 = vector.shape_cast %parallel_loop3A_401 : vector<1x16xf32> to vector<16xf32>
      %parallel_loop3A_403 = arith.addf %parallel_loop3A_396, %parallel_loop3A_402 : vector<16xf32>
      %parallel_loop3A_404 = arith.constant 1 : i32
      %parallel_loop3A_405 = arith.index_cast %parallel_loop3A_404 : i32 to index
      %parallel_loop3A_406 = arith.index_cast %parallel_loop3A_310 : i32 to index
      %parallel_loop3A_407 = arith.constant 64 : index
      %parallel_loop3A_408 = tpu.vector_load %arg10[%parallel_loop3A_405, %parallel_loop3A_406, %parallel_loop3A_407] {strides = array<i32>} : memref<2x64x128xf32, #tpu.memory_space<vmem>>, vector<1x1x16xf32>,
      %parallel_loop3A_409 = vector.shape_cast %parallel_loop3A_408 : vector<1x1x16xf32> to vector<16xf32>
      %parallel_loop3A_410 = vector.shape_cast %parallel_loop3A_403 : vector<16xf32> to vector<1x1x16xf32>
      tpu.vector_store %arg10[%parallel_loop3A_405, %parallel_loop3A_406, %parallel_loop3A_407], %parallel_loop3A_410 {strides = array<i32>} : memref<2x64x128xf32, #tpu.memory_space<vmem>>, vector<1x1x16xf32>,
      %parallel_loop3A_411 = arith.constant 3 : i32
      %parallel_loop3A_412 = arith.index_cast %parallel_loop3A_411 : i32 to index
      %parallel_loop3A_413 = arith.index_cast %parallel_loop3A_310 : i32 to index
      %parallel_loop3A_414 = arith.constant 80 : index
      %parallel_loop3A_415 = tpu.vector_load %arg9[%parallel_loop3A_412, %parallel_loop3A_413, %parallel_loop3A_414] {strides = array<i32>} : memref<4x64x128xf32, #tpu.memory_space<vmem>>, vector<1x1x16xf32>,
      %parallel_loop3A_416 = vector.shape_cast %parallel_loop3A_415 : vector<1x1x16xf32> to vector<16xf32>
      %parallel_loop3A_417 = arith.constant 192 : i32
      %parallel_loop3A_418 = arith.addi %parallel_loop3A_417, %parallel_loop3A_310 : i32
      %parallel_loop3A_419 = arith.index_cast %parallel_loop3A_418 : i32 to index
      %parallel_loop3A_420 = arith.constant 80 : index
      %parallel_loop3A_421 = tpu.vector_load %arg11[%parallel_loop3A_419, %parallel_loop3A_420] {strides = array<i32>} : memref<256x128xf32, #tpu.memory_space<vmem>>, vector<1x16xf32>,
      %parallel_loop3A_422 = vector.shape_cast %parallel_loop3A_421 : vector<1x16xf32> to vector<16xf32>
      %parallel_loop3A_423 = arith.addf %parallel_loop3A_416, %parallel_loop3A_422 : vector<16xf32>
      %parallel_loop3A_424 = arith.constant 1 : i32
      %parallel_loop3A_425 = arith.index_cast %parallel_loop3A_424 : i32 to index
      %parallel_loop3A_426 = arith.index_cast %parallel_loop3A_310 : i32 to index
      %parallel_loop3A_427 = arith.constant 80 : index
      %parallel_loop3A_428 = tpu.vector_load %arg10[%parallel_loop3A_425, %parallel_loop3A_426, %parallel_loop3A_427] {strides = array<i32>} : memref<2x64x128xf32, #tpu.memory_space<vmem>>, vector<1x1x16xf32>,
      %parallel_loop3A_429 = vector.shape_cast %parallel_loop3A_428 : vector<1x1x16xf32> to vector<16xf32>
      %parallel_loop3A_430 = vector.shape_cast %parallel_loop3A_423 : vector<16xf32> to vector<1x1x16xf32>
      tpu.vector_store %arg10[%parallel_loop3A_425, %parallel_loop3A_426, %parallel_loop3A_427], %parallel_loop3A_430 {strides = array<i32>} : memref<2x64x128xf32, #tpu.memory_space<vmem>>, vector<1x1x16xf32>,
      %parallel_loop3A_431 = arith.constant 3 : i32
      %parallel_loop3A_432 = arith.index_cast %parallel_loop3A_431 : i32 to index
      %parallel_loop3A_433 = arith.index_cast %parallel_loop3A_310 : i32 to index
      %parallel_loop3A_434 = arith.constant 96 : index
      %parallel_loop3A_435 = tpu.vector_load %arg9[%parallel_loop3A_432, %parallel_loop3A_433, %parallel_loop3A_434] {strides = array<i32>} : memref<4x64x128xf32, #tpu.memory_space<vmem>>, vector<1x1x16xf32>,
      %parallel_loop3A_436 = vector.shape_cast %parallel_loop3A_435 : vector<1x1x16xf32> to vector<16xf32>
      %parallel_loop3A_437 = arith.constant 192 : i32
      %parallel_loop3A_438 = arith.addi %parallel_loop3A_437, %parallel_loop3A_310 : i32
      %parallel_loop3A_439 = arith.index_cast %parallel_loop3A_438 : i32 to index
      %parallel_loop3A_440 = arith.constant 96 : index
      %parallel_loop3A_441 = tpu.vector_load %arg11[%parallel_loop3A_439, %parallel_loop3A_440] {strides = array<i32>} : memref<256x128xf32, #tpu.memory_space<vmem>>, vector<1x16xf32>,
      %parallel_loop3A_442 = vector.shape_cast %parallel_loop3A_441 : vector<1x16xf32> to vector<16xf32>
      %parallel_loop3A_443 = arith.addf %parallel_loop3A_436, %parallel_loop3A_442 : vector<16xf32>
      %parallel_loop3A_444 = arith.constant 1 : i32
      %parallel_loop3A_445 = arith.index_cast %parallel_loop3A_444 : i32 to index
      %parallel_loop3A_446 = arith.index_cast %parallel_loop3A_310 : i32 to index
      %parallel_loop3A_447 = arith.constant 96 : index
      %parallel_loop3A_448 = tpu.vector_load %arg10[%parallel_loop3A_445, %parallel_loop3A_446, %parallel_loop3A_447] {strides = array<i32>} : memref<2x64x128xf32, #tpu.memory_space<vmem>>, vector<1x1x16xf32>,
      %parallel_loop3A_449 = vector.shape_cast %parallel_loop3A_448 : vector<1x1x16xf32> to vector<16xf32>
      %parallel_loop3A_450 = vector.shape_cast %parallel_loop3A_443 : vector<16xf32> to vector<1x1x16xf32>
      tpu.vector_store %arg10[%parallel_loop3A_445, %parallel_loop3A_446, %parallel_loop3A_447], %parallel_loop3A_450 {strides = array<i32>} : memref<2x64x128xf32, #tpu.memory_space<vmem>>, vector<1x1x16xf32>,
      %parallel_loop3A_451 = arith.constant 3 : i32
      %parallel_loop3A_452 = arith.index_cast %parallel_loop3A_451 : i32 to index
      %parallel_loop3A_453 = arith.index_cast %parallel_loop3A_310 : i32 to index
      %parallel_loop3A_454 = arith.constant 112 : index
      %parallel_loop3A_455 = tpu.vector_load %arg9[%parallel_loop3A_452, %parallel_loop3A_453, %parallel_loop3A_454] {strides = array<i32>} : memref<4x64x128xf32, #tpu.memory_space<vmem>>, vector<1x1x16xf32>,
      %parallel_loop3A_456 = vector.shape_cast %parallel_loop3A_455 : vector<1x1x16xf32> to vector<16xf32>
      %parallel_loop3A_457 = arith.constant 192 : i32
      %parallel_loop3A_458 = arith.addi %parallel_loop3A_457, %parallel_loop3A_310 : i32
      %parallel_loop3A_459 = arith.index_cast %parallel_loop3A_458 : i32 to index
      %parallel_loop3A_460 = arith.constant 112 : index
      %parallel_loop3A_461 = tpu.vector_load %arg11[%parallel_loop3A_459, %parallel_loop3A_460] {strides = array<i32>} : memref<256x128xf32, #tpu.memory_space<vmem>>, vector<1x16xf32>,
      %parallel_loop3A_462 = vector.shape_cast %parallel_loop3A_461 : vector<1x16xf32> to vector<16xf32>
      %parallel_loop3A_463 = arith.addf %parallel_loop3A_456, %parallel_loop3A_462 : vector<16xf32>
      %parallel_loop3A_464 = arith.constant 1 : i32
      %parallel_loop3A_465 = arith.index_cast %parallel_loop3A_464 : i32 to index
      %parallel_loop3A_466 = arith.index_cast %parallel_loop3A_310 : i32 to index
      %parallel_loop3A_467 = arith.constant 112 : index
      %parallel_loop3A_468 = tpu.vector_load %arg10[%parallel_loop3A_465, %parallel_loop3A_466, %parallel_loop3A_467] {strides = array<i32>} : memref<2x64x128xf32, #tpu.memory_space<vmem>>, vector<1x1x16xf32>,
      %parallel_loop3A_469 = vector.shape_cast %parallel_loop3A_468 : vector<1x1x16xf32> to vector<16xf32>
      %parallel_loop3A_470 = vector.shape_cast %parallel_loop3A_463 : vector<16xf32> to vector<1x1x16xf32>
      tpu.vector_store %arg10[%parallel_loop3A_465, %parallel_loop3A_466, %parallel_loop3A_467], %parallel_loop3A_470 {strides = array<i32>} : memref<2x64x128xf32, #tpu.memory_space<vmem>>, vector<1x1x16xf32>,
    } {sc.loop_unroll_factor = 2 : i64, sc.parallel_access}
    %add3A_263 = arith.constant 192 : i32
    %add3A_264 = arith.addi %mul3A_32, %add3A_263 : i32
    %dma_start3A_265 = arith.constant 1 : i32
    %dma_start3A_266 = arith.constant 0 : i32
    %dma_start3A_267 = arith.constant 0 : i32
    %dma_start3A_268 = tpu.memref_slice %arg10[%dma_start3A_265, %dma_start3A_266, %dma_start3A_267] : memref<2x64x128xf32, #tpu.memory_space<vmem>> -> memref<1x64x128xf32, #tpu.memory_space<vmem>>
    %dma_start3A_269 = tpu.memref_squeeze %dma_start3A_268 : memref<1x64x128xf32, #tpu.memory_space<vmem>> -> memref<64x128xf32, #tpu.memory_space<vmem>>
    %dma_start3A_270 = arith.constant 0 : i32
    %dma_start3A_271 = tpu.memref_slice %arg6[%select_n3A, %add3A_264, %dma_start3A_270] : memref<4x2048x128xf32, #tpu.memory_space<hbm>> -> memref<1x64x128xf32, #tpu.memory_space<hbm>>
    %dma_start3A_272 = tpu.memref_squeeze %dma_start3A_271 : memref<1x64x128xf32, #tpu.memory_space<hbm>> -> memref<64x128xf32, #tpu.memory_space<hbm>>
    %dma_start3A_273 = arith.constant 0 : i32
    %dma_start3A_274 = tpu.memref_slice %arg6[%select_n3A, %add3A_264, %dma_start3A_273] : memref<4x2048x128xf32, #tpu.memory_space<hbm>> -> memref<1x64x128xf32, #tpu.memory_space<hbm>>
    %dma_start3A_275 = tpu.memref_squeeze %dma_start3A_274 : memref<1x64x128xf32, #tpu.memory_space<hbm>> -> memref<64x128xf32, #tpu.memory_space<hbm>>
    %dma_start3A_276 = arith.constant 0 : i32
    %dma_start3A_277 = arith.constant 0 : i32
    %dma_start3A_278 = tpu.memref_slice %arg10[%dma_start3A_265, %dma_start3A_276, %dma_start3A_277] : memref<2x64x128xf32, #tpu.memory_space<vmem>> -> memref<1x64x128xf32, #tpu.memory_space<vmem>>
    %dma_start3A_279 = tpu.memref_squeeze %dma_start3A_278 : memref<1x64x128xf32, #tpu.memory_space<vmem>> -> memref<64x128xf32, #tpu.memory_space<vmem>>
    tpu.enqueue_dma source(%dma_start3A_279 : memref<64x128xf32, #tpu.memory_space<vmem>>) target(%dma_start3A_275 : memref<64x128xf32, #tpu.memory_space<hbm>>) target_semaphore(%arg25 : memref<!tpu.dma_semaphore, #tpu.memory_space<semaphore_mem>>)
    %dma_wait3A_280 = arith.constant 0 : i32
    %dma_wait3A_281 = arith.constant 0 : i32
    %dma_wait3A_282 = arith.constant 0 : i32
    %dma_wait3A_283 = tpu.memref_slice %arg10[%dma_wait3A_280, %dma_wait3A_281, %dma_wait3A_282] : memref<2x64x128xf32, #tpu.memory_space<vmem>> -> memref<1x64x128xf32, #tpu.memory_space<vmem>>
    %dma_wait3A_284 = tpu.memref_squeeze %dma_wait3A_283 : memref<1x64x128xf32, #tpu.memory_space<vmem>> -> memref<64x128xf32, #tpu.memory_space<vmem>>
    %dma_wait3A_285 = arith.constant 0 : i32
    %dma_wait3A_286 = tpu.memref_slice %arg6[%select_n3A, %add3A_219, %dma_wait3A_285] : memref<4x2048x128xf32, #tpu.memory_space<hbm>> -> memref<1x64x128xf32, #tpu.memory_space<hbm>>
    %dma_wait3A_287 = tpu.memref_squeeze %dma_wait3A_286 : memref<1x64x128xf32, #tpu.memory_space<hbm>> -> memref<64x128xf32, #tpu.memory_space<hbm>>
    %dma_wait3A_288 = arith.constant 0 : i32
    %dma_wait3A_289 = tpu.memref_slice %arg6[%select_n3A, %add3A_219, %dma_wait3A_288] : memref<4x2048x128xf32, #tpu.memory_space<hbm>> -> memref<1x64x128xf32, #tpu.memory_space<hbm>>
    %dma_wait3A_290 = tpu.memref_squeeze %dma_wait3A_289 : memref<1x64x128xf32, #tpu.memory_space<hbm>> -> memref<64x128xf32, #tpu.memory_space<hbm>>
    %dma_wait3A_291 = arith.constant 0 : i32
    %dma_wait3A_292 = arith.constant 0 : i32
    %dma_wait3A_293 = tpu.memref_slice %arg10[%dma_wait3A_280, %dma_wait3A_291, %dma_wait3A_292] : memref<2x64x128xf32, #tpu.memory_space<vmem>> -> memref<1x64x128xf32, #tpu.memory_space<vmem>>
    %dma_wait3A_294 = tpu.memref_squeeze %dma_wait3A_293 : memref<1x64x128xf32, #tpu.memory_space<vmem>> -> memref<64x128xf32, #tpu.memory_space<vmem>>
    tpu.wait_dma2 semaphore(%arg24 : memref<!tpu.dma_semaphore, #tpu.memory_space<semaphore_mem>>) src(%dma_wait3A_294 : memref<64x128xf32, #tpu.memory_space<vmem>>) dst(%dma_wait3A_290 : memref<64x128xf32, #tpu.memory_space<hbm>>)
    %dma_wait3A_295 = arith.constant 1 : i32
    %dma_wait3A_296 = arith.constant 0 : i32
    %dma_wait3A_297 = arith.constant 0 : i32
    %dma_wait3A_298 = tpu.memref_slice %arg10[%dma_wait3A_295, %dma_wait3A_296, %dma_wait3A_297] : memref<2x64x128xf32, #tpu.memory_space<vmem>> -> memref<1x64x128xf32, #tpu.memory_space<vmem>>
    %dma_wait3A_299 = tpu.memref_squeeze %dma_wait3A_298 : memref<1x64x128xf32, #tpu.memory_space<vmem>> -> memref<64x128xf32, #tpu.memory_space<vmem>>
    %dma_wait3A_300 = arith.constant 0 : i32
    %dma_wait3A_301 = tpu.memref_slice %arg6[%select_n3A, %add3A_264, %dma_wait3A_300] : memref<4x2048x128xf32, #tpu.memory_space<hbm>> -> memref<1x64x128xf32, #tpu.memory_space<hbm>>
    %dma_wait3A_302 = tpu.memref_squeeze %dma_wait3A_301 : memref<1x64x128xf32, #tpu.memory_space<hbm>> -> memref<64x128xf32, #tpu.memory_space<hbm>>
    %dma_wait3A_303 = arith.constant 0 : i32
    %dma_wait3A_304 = tpu.memref_slice %arg6[%select_n3A, %add3A_264, %dma_wait3A_303] : memref<4x2048x128xf32, #tpu.memory_space<hbm>> -> memref<1x64x128xf32, #tpu.memory_space<hbm>>
    %dma_wait3A_305 = tpu.memref_squeeze %dma_wait3A_304 : memref<1x64x128xf32, #tpu.memory_space<hbm>> -> memref<64x128xf32, #tpu.memory_space<hbm>>
    %dma_wait3A_306 = arith.constant 0 : i32
    %dma_wait3A_307 = arith.constant 0 : i32
    %dma_wait3A_308 = tpu.memref_slice %arg10[%dma_wait3A_295, %dma_wait3A_306, %dma_wait3A_307] : memref<2x64x128xf32, #tpu.memory_space<vmem>> -> memref<1x64x128xf32, #tpu.memory_space<vmem>>
    %dma_wait3A_309 = tpu.memref_squeeze %dma_wait3A_308 : memref<1x64x128xf32, #tpu.memory_space<vmem>> -> memref<64x128xf32, #tpu.memory_space<vmem>>
    tpu.wait_dma2 semaphore(%arg25 : memref<!tpu.dma_semaphore, #tpu.memory_space<semaphore_mem>>) src(%dma_wait3A_309 : memref<64x128xf32, #tpu.memory_space<vmem>>) dst(%dma_wait3A_305 : memref<64x128xf32, #tpu.memory_space<hbm>>)
    return
  }
}

</mosaic_0001>

<sc_bundles>
// kernel: kernel.3.cloned.1.call-start
scs
__scs_entry_jumppad:
0x0: {  	(pc) =	sbr.rel $0x88, $3  }
0x1: {  	(tag) =	ssettag $0x0;
	lr =	simm.s32 $0x1  }
0x2: {  	[smem:$0x3F9D] =	sst lr;
	_ =	strace $0xD0000000  }
0x3: {  	_ = 	snop  }
0x4: {  	_ = 	snop  }
0x5: {  	_ = 	snop  }
0x6: {  	_ = 	snop  }
0x7: {  	_ = 	snop  }
__scs_overlays_trampoline_lowered:
0x8: {  	[smem:$0x3FAC] =	sst s0  }
0x9: {  	[smem:$0x3FAD] =	sst s1  }
0xa: {  	[smem:$0x3FAE] =	sst s2  }
0xb: {  	[smem:$0x3FAF] =	sst s3  }
0xc: {  	[smem:$0x3FB0] =	sst s4  }
0xd: {  	[smem:$0x3FB1] =	sst s5  }
0xe: {  	[smem:$0x3FB2] =	sst s6  }
0xf: {  	[smem:$0x3FB3] =	sst s7  }
0x10: {  	[smem:$0x3FB4] =	sst s8  }
0x11: {  	[smem:$0x3FB5] =	sst s9;
	s0 =	simm.s32 @!p0 $0x0  }
0x12: {  	s1 =	sld [smem:$0x3F9B];
	s0 =	simm.s32 @p0 $0x1  }
0x13: {  	[smem:$0x3FB6] =	sst s0;
	s0 =	simm.s32 @!p1 $0x0  }
0x14: {  	s2 =	sld [smem:$0x3F9A];
	s0 =	simm.s32 @p1 $0x1  }
0x15: {  	[smem:$0x3FB7] =	sst s0;
	s0 =	simm.s32 @!p2 $0x0  }
0x16: {  	s3 =	sld [smem:$0x3FDB];
	s0 =	simm.s32 @p2 $0x1  }
0x17: {  	s4 =	simm.s32 $0x1BF5;
	[smem:$0x3FB9] =	sst s0  }
0x18: {  	s0 =	sld [smem:$0x3F9C];
	_ =	swait.ge [sflag:s4], $0x0  }
0x19: {  	s7 =	sld [smem:$0x3F9D]  }
0x1a: {  	s8 =	sadd.s32 $0xFFFFE003, lr  }
0x1b: {  	s9 =	sadd.s32 $0xFFFFFEF7, lr;
	s5 =	simm.s32 $0xFFFFFFFF;
	p2 =	slt.u32 s8, $0xFFFFF086  }
0x1c: {  	p1 =	slt.u32 s9, $0xF7A;
	s5 =	simm.s32 @!p2 $0x0  }
0x1d: {  	s5 =	simm.s32 @p1 $0x1;
	p0 =	seq.s32 s7, s2  }
0x1e: {  	s7 =	smul.u32 @!p0 $0xF7A, s2;
	p2 =	seq.s32 @!p0 s5, $0x0  }
0x1f: {  	s9 =	smul.u32 $0xF7A, s1;
	s8 =	simm.s32 @!p0 $0x1BF5;
	p2 =	por !p2, p0  }
0x20: {  	[sflag:s8] =	ssyncset.s32 @!p0 $0xFFFFF086;
	s6 =	sadd.s32 @!p0 s3, s7;
	s7 =	simm.s32 @!p0 $0x108  }
0x21: {  	s3 =	sadd.s32 s3, s9;
	s6 =	sadd.s32 @!p0 $0x88, s6;
	s7 =	simm.s32 @p2 $0x1082  }
0x22: {  	[simem:s7], [sflag:s8] =	dma.local @!p0 [hbm:s6], $0xF7A  }
0x23: {  	s9 =	sor.u32 $0xD0000000, s2;
	s6 =	simm.s32 $0x108;
	_ =	swait.ge @!p0 [sflag:s8], $0x0  }
0x24: {  	s3 =	sadd.s32 $0x88, s3;
	s6 =	simm.s32 @!p1 $0x1082;
	[sflag:s4] =	ssyncset.s32 $0xFFFFF086  }
0x25: {  	[simem:s6], [sflag:s4] =	dma.local [hbm:s3], $0xF7A  }
0x26: {  	[smem:$0x3F9D] =	sst s1;
	(tag) =	ssettag s2;
	_ =	strace s9  }
0x27: {  	s1 =	sld [smem:$0x3FAD]  }
0x28: {  	s2 =	sld [smem:$0x3FAE]  }
0x29: {  	s4 =	sld [smem:$0x3FB0]  }
0x2a: {  	p0 =	seq.s32 s5, $0x0;
	s5 =	sld [smem:$0x3FB1]  }
0x2b: {  	s6 =	sld [smem:$0x3FB2]  }
0x2c: {  	s7 =	sld [smem:$0x3FB3]  }
0x2d: {  	s3 =	simm.s32 $0x108;
	s8 =	sld [smem:$0x3FB4]  }
0x2e: {  	s3 =	simm.s32 @!p0 $0x1082;
	s9 =	sld [smem:$0x3FB5]  }
0x2f: {  	lr =	sadd.s32 s0, s3;
	s0 =	sld [smem:$0x3FAC]  }
0x30: {  	s3 =	sld [smem:$0x3FAF]  }
0x31: {  	[smem:$0x3FB8] =	sst s10  }
0x32: {  	s10 =	sld [smem:$0x3FB6];
	_ =	sdelay $0x3  }
0x33: {  	p0 =	seq.s32 s10, $0x1;
	s10 =	sld [smem:$0x3FB8];
	_ =	sdelay $0x3  }
0x34: {  	[smem:$0x3FB8] =	sst s10  }
0x35: {  	s10 =	sld [smem:$0x3FB7];
	_ =	sdelay $0x3  }
0x36: {  	p1 =	seq.s32 s10, $0x1;
	s10 =	sld [smem:$0x3FB8];
	_ =	sdelay $0x3  }
0x37: {  	[smem:$0x3FB8] =	sst s10  }
0x38: {  	s10 =	sld [smem:$0x3FB9]  }
0x39: {  	_ = 	snop;
	(pc) =	sbr.ind lr, $3  }
0x3a: {  	_ = 	snop  }
0x3b: {  	_ = 	snop  }
0x3c: {  	p2 =	seq.s32 s10, $0x1;
	s10 =	sld [smem:$0x3FB8]  }
0x3d: {  	_ =	shalt  }
0x3e: {  	_ =	shalt  }
0x3f: {  	_ =	shalt  }
0x40: {  	_ =	shalt  }
0x41: {  	_ =	shalt  }
0x42: {  	_ =	shalt  }
0x43: {  	_ =	shalt  }
0x44: {  	_ =	shalt  }
0x45: {  	_ =	shalt  }
0x46: {  	_ =	shalt  }
0x47: {  	_ =	shalt  }
0x48: {  	_ =	shalt  }
0x49: {  	_ =	shalt  }
0x4a: {  	_ =	shalt  }
0x4b: {  	_ =	shalt  }
0x4c: {  	_ =	shalt  }
0x4d: {  	_ =	shalt  }
0x4e: {  	_ =	shalt  }
0x4f: {  	_ =	shalt  }
0x50: {  	_ =	shalt  }
0x51: {  	_ =	shalt  }
0x52: {  	_ =	shalt  }
0x53: {  	_ =	shalt  }
0x54: {  	_ =	shalt  }
0x55: {  	_ =	shalt  }
0x56: {  	_ =	shalt  }
0x57: {  	_ =	shalt  }
0x58: {  	_ =	shalt  }
0x59: {  	_ =	shalt  }
0x5a: {  	_ =	shalt  }
0x5b: {  	_ =	shalt  }
0x5c: {  	_ =	shalt  }
0x5d: {  	_ =	shalt  }
0x5e: {  	_ =	shalt  }
0x5f: {  	_ =	shalt  }
0x60: {  	_ =	shalt  }
0x61: {  	_ =	shalt  }
0x62: {  	_ =	shalt  }
0x63: {  	_ =	shalt  }
0x64: {  	_ =	shalt  }
0x65: {  	_ =	shalt  }
0x66: {  	_ =	shalt  }
0x67: {  	_ =	shalt  }
0x68: {  	_ =	shalt  }
0x69: {  	_ =	shalt  }
0x6a: {  	_ =	shalt  }
0x6b: {  	_ =	shalt  }
0x6c: {  	_ =	shalt  }
0x6d: {  	_ =	shalt  }
0x6e: {  	_ =	shalt  }
0x6f: {  	_ =	shalt  }
0x70: {  	_ =	shalt  }
0x71: {  	_ =	shalt  }
0x72: {  	_ =	shalt  }
0x73: {  	_ =	shalt  }
0x74: {  	_ =	shalt  }
0x75: {  	_ =	shalt  }
0x76: {  	_ =	shalt  }
0x77: {  	_ =	shalt  }
0x78: {  	_ =	shalt  }
0x79: {  	_ =	shalt  }
0x7a: {  	_ =	shalt  }
0x7b: {  	_ =	shalt  }
0x7c: {  	_ =	shalt  }
0x7d: {  	_ =	shalt  }
0x7e: {  	_ =	shalt  }
0x7f: {  	_ =	shalt  }
0x80: {  	_ =	shalt  }
0x81: {  	_ =	shalt  }
0x82: {  	_ =	shalt  }
0x83: {  	_ =	shalt  }
0x84: {  	_ =	shalt  }
0x85: {  	_ =	shalt  }
0x86: {  	_ =	shalt  }
0x87: {  	_ =	shalt  }
.Lfunc_end0:
.L_simem_size_0:
called_computation_lowered:
.L_overlay_start_0:
0x88: {  	s2 =	sld [smem:$0x3FD9]  }
0x89: {  	s3 =	sld [smem:$0x3FFE];
	_ =	sdelay $0x1  }
0x8a: {  	s1 =	srdreg.scid  }
0x8b: {  	s0 =	sand.u32 $0x1, s1  }
0x8c: {  	s18 =	sshll.u32 s0, $0xA;
	s2 =	sadd.s32 s3, s2  }
0x8d: {  	s2 =	sadd.s32 s2, s18  }
0x8e: {  	[smem:$0x3FC4] =	sst s2  }
0x8f: {  	_ = 	snop  }
0x90: {  	s2 =	sld [smem:$0x3FC9]  }
0x91: {  	s19 =	sld [smem:$0x3FC8]  }
0x92: {  	s4 =	sld [smem:$0x3FC7]  }
0x93: {  	s5 =	sld [smem:$0x3FC6]  }
0x94: {  	s6 =	sld [smem:$0x3FD0];
	(tm) =	ssettm $0x1  }
0x95: {  	s7 =	sld [smem:$0x3FFB];
	_ =	sdelay $0x3  }
0x96: {  	_ =	strace s7  }
0x97: {  	s7 =	sld [smem:$0x3FFC];
	_ =	sdelay $0x3  }
0x98: {  	_ =	strace s7  }
0x99: {  	s7 =	sld [smem:$0x3FFD];
	_ =	sdelay $0x3  }
0x9a: {  	_ =	strace s7  }
0x9b: {  	_ =	strace $0x8FFFFFFF  }
0x9c: {  	s20 =	sld [smem:$0x3FDB];
	_ =	sdelay $0x1  }
0x9d: {  	s8 =	simm.s32 $_scs_section_size  }
0x9e: {  	s9 =	simm.s32 $_size__tile_overlayer_lowered;
	s10 =	simm.s32 $_tile_overlayer_lowered  }
0x9f: {  	s23 =	simm.s32 $0x1BFF;
	s22 =	sshll.u32 s10, $0x1;
	s7 =	sadd.s32 s8, s20  }
0xa0: {  	s11 =	simm.s32 $0x0;
	s21 =	sshll.u32 s9, $0x1;
	s9 =	sadd.s32 s22, s7  }
0xa1: {  	[timem:s11], [sflag:s23] =	dma.local [hbm:s9], s21  }
0xa2: {  	_ =	swait.ge [sflag:s23], s21  }
0xa3: {  	s8 =	ssub.s32 $0x0, s21;
	[sflag:s23] =	ssyncset.done $0x0  }
0xa4: {  	[sflag:s23] =	ssyncadd.s32 s8;
	_ =	sdelay $0x1  }
0xa5: {  	s24 =	simm.s32 $0x1B8B  }
0xa6: {  	_ =	swait.ge [sflag:s24], $0x1  }
0xa7: {  	[sflag:s24] =	ssyncset.done $0x0  }
0xa8: {  	s25 =	simm.s32 $0x1B8E;
	[sflag:s24] =	ssyncadd.s32 $0xFFFFFFFF  }
0xa9: {  	s26 =	simm.s32 $execute0_lowered;
	[smem:$0x3FD2] =	sst s25  }
0xaa: {  	s8 =	sshll.u32 s26, $0x1;
	_ =	strace $0x80000046;
	[dreg:$0x1] =	wrdreg $0xFFFFFFFF  }
0xab: {  	s28 =	simm.s32 $_size_execute0_lowered;
	s7 =	sadd.s32 s7, s8;
	[dreg:$0x0] =	wrdreg $0x0  }
0xac: {  	s8 =	sshll.u32 s28, $0x1;
	[dreg:$0x2] =	wrdreg s7  }
0xad: {  	[dreg:$0x3] =	wrdreg s8  }
0xae: {  	[dreg:$0x4] =	wrdreg $0xC0  }
0xaf: {  	_ =	task [dreg:s11], $0x5FFFF  }
0xb0: {  	[dreg:$0x1] =	wrdreg $0xFFFFFFFF  }
0xb1: {  	[dreg:$0x0] =	wrdreg $0x60  }
0xb2: {  	[dreg:$0x2] =	wrdreg s4  }
0xb3: {  	[dreg:$0x3] =	wrdreg s5  }
0xb4: {  	[dreg:$0x4] =	wrdreg s2  }
0xb5: {  	[dreg:$0x5] =	wrdreg s19  }
0xb6: {  	[dreg:$0x6] =	wrdreg s6  }
0xb7: {  	[dreg:$0x7] =	wrdreg $0x142000  }
0xb8: {  	[dreg:$0x8] =	wrdreg $0x9  }
0xb9: {  	_ =	task.clear_ibuf [dreg:s11], $0x9FFFF;
	_ =	strace $0x90000046  }
0xba: {  	s29 =	simm.s32 $0x9;
	_ =	strace $0x80000048  }
0xbb: {  	_ =	swait.ge [sflag:s29], $0x1  }
0xbc: {  	[sflag:s29] =	ssyncadd.s32 $0xFFFFFFFF  }
0xbd: {  	_ =	strace $0x90000048  }
0xbe: {  	_ =	sfence  }
0xbf: {  	s30 =	sld [smem:$0x0];
	_ =	sdelay $0x2  }
0xc0: {  	s31 =	sshll.u32 s1, $0xD;
	s1 =	sshrl.u32 s1, $0x2  }
0xc1: {  	s3 =	sand.u32 $0x4000, s31;
	s1 =	sadd.s32 s1, s30  }
0xc2: {  	s0 =	sor.u32 s3, s0;
	s1 =	sshll.u32 s1, $0x11  }
0xc3: {  	s0 =	sor.u32 s1, s0  }
0xc4: {  	s0 =	sadd.s32 $0x8F2B, s0  }
0xc5: {  	[sflag:s0] =	ssyncadd.remote.s32 $0x1  }
0xc6: {  	_ =	sfence.sel $0xFFFF  }
0xc7: {  	[dreg:$0x0] =	wrdreg $0xFFFFFFFF;
	(pc) =	sbr.abs _section_cstart, $3  }
0xc8: {  	[dreg:$0x1] =	wrdreg $0xFFFFFFFF  }
0xc9: {  	_ =	task.clear_ibuf [dreg:s11], $0x2FFFF;
	_ =	strace $0x9FFFFFFF  }
0xca: {  	(tm) =	ssettm $0x7FFFFFFF  }
0xcb: {  	_ =	shalt  }
tec
execute0_lowered:
.L_overlay_start_1:
0x0: {  	(tag) =	ssettag $0x1  }
0x1: {  	s1 =	rddreg [dreg:$0x0]  }
0x2: {  	s11 =	rddreg [dreg:$0x1]  }
0x3: {  	s0 =	rddreg [dreg:$0x2]  }
0x4: {  	s2 =	rddreg [dreg:$0x3]  }
0x5: {  	s3 =	rddreg [dreg:$0x4]  }
0x6: {  	s13 =	rddreg [dreg:$0x5];
	s12 =	stileid.u32  }
0x7: {  	s5 =	simm.s32 $0x0;
	s4 =	srdreg.scid;
	s28 =	simm.s32 $0x3  }
0x8: {  	s31 =	simm.s32 $0x4;
	s29 =	simm.s32 $0xB;
	s30 =	simm.s32 $0x0  }
0x9: {  	s6 =	sshll.u32 s12, $0x1;
	[smem:$0x7FF] =	sst s5;
	s4 =	sand.u32 $0x1, s4  }
0xa: {  	s8 =	sshrl.u32 s12, $0x2;
	s17 =	sshll.u32 s12, $0xE;
	s20 =	sshll.u32 s12, $0xB  }
0xb: {  	s21 =	sshll.u32 s12, $0x6;
	s6 =	sand.u32 $0x6, s6;
	s7 =	ssub.s32 $0x2, s4  }
0xc: {  	s10 =	sshll.u32 s8, $0x4;
	_ =	strace $0x80000047;
	s18 =	sadd.s32 s17, s13  }
0xd: {  	s19 =	sshll.u32 s8, $0xF;
	s22 =	sadd.s32 s11, s20;
	s23 =	sor.u32 $0x1C03, s21  }
0xe: {  	s20 =	simm.s32 $0x40;
	s21 =	simm.s32 $0xA200;
	[dreg:$0x9] =	wrdreg s22  }
0xf: {  	s4 =	sor.u32 s4, s6;
	s15 =	sshrl.u32 s7, $0x1;
	[dreg:$0xa] =	wrdreg s23  }
0x10: {  	s18 =	sshrl.u32 s18, $0x3;
	s22 =	simm.s32 $0x1;
	s23 =	simm.s32 $0x6  }
0x11: {  	s9 =	sshll.u32 s4, $0x7;
	s6 =	ssub.s32 s7, s15;
	s4 =	sshll.u32 s4, $0xC  }
0x12: {  	s15 =	simm.s32 $0x80;
	s16 =	sor.u32 s10, s9;
	s26 =	smax.u32 s6, $0x1  }
0x13: {  	s2 =	sadd.s32 s2, s16;
	s0 =	sadd.s32 s0, s16;
	[dreg:$0xe] =	wrdreg s26  }
0x14: {  	s16 =	simm.s32 $0x200;
	[dreg:$0x7] =	wrdreg s2;
	s2 =	sor.u32 s19, s4  }
0x15: {  	s26 =	simm.s32 $0x7;
	[dreg:$0x8] =	wrdreg s0;
	s10 =	sadd.s32 s3, s2  }
0x16: {  	s19 =	simm.s32 $0x2;
	s0 =	simm.s32 $0x8;
	s2 =	sadd.s32 $0x400, s10  }
0x17: {  	s4 =	simm.s32 $0x9;
	s24 =	sadd.s32 $0x800, s10;
	[dreg:$0xb] =	wrdreg s2  }
0x18: {  	s3 =	simm.s32 $0x8200;
	s25 =	sadd.s32 $0xC00, s10;
	[dreg:$0xc] =	wrdreg s24  }
0x19: {  	[dreg:$0xd] =	wrdreg s25;
	s2 =	simm.s32 $0x5;
	s24 =	simm.s32 $0xA  }
.LBB2_1:
0x1a: {  	s6 =	rddreg [dreg:$0x7]  }
0x1b: {  	s17 =	rddreg [dreg:$0x8]  }
0x1c: {  	s8 =	simm.s32 $0x100;
	s25 =	rddreg [dreg:$0x9]  }
0x1d: {  	[tilespmem:s8], [sflag:$0x2] =	stream.strided.gather [hbm4b:s6+s15], $0x100, s16, s15, $0x38;
	[tilespmem:$0x18200] =	vst v63  }
0x1e: {  	s7 =	rddreg [dreg:$0xa]  }
0x1f: {  	[tilespmem:s5], [sflag:$0x1] =	stream.strided.gather [hbm4b:s17+s15], $0x100, s16, s15, $0x38;
	[tilespmem:$0x18200] =	vst v63  }
0x20: {  	[spmem:s18], [sflag:s7] =	dma.local [hbm:s25], $0x800  }
0x21: {  	_ =	swait.ge [sflag:s19], $0x100  }
0x22: {  	[sflag:s19] =	ssyncset.done $0x0  }
0x23: {  	[sflag:s19] =	ssyncadd.s32 $0xFFFFFF00  }
0x24: {  	s9 =	simm.s32 $0xC200;
	s7 =	rddreg [dreg:$0x1]  }
0x25: {  	[tilespmem:s9], [sflag:$0x8] =	stream.indirect.gather [hbm4b:s7+s20], $0x80, s8, s20, $0xb8;
	[tilespmem:$0x18200] =	vst v63  }
0x26: {  	_ =	swait.ge [sflag:s22], $0x100  }
0x27: {  	[sflag:s22] =	ssyncset.done $0x0  }
0x28: {  	[sflag:s22] =	ssyncadd.s32 $0xFFFFFF00  }
0x29: {  	[tilespmem:s16], [sflag:$0x4] =	stream.indirect.gather [hbm4b:s1+s20], $0x80, s5, s20, $0xb8;
	[tilespmem:$0x18200] =	vst v63  }
0x2a: {  	s11 =	simm.s32 $0x2200  }
0x2b: {  	[tilespmem:s11], [sflag:$0x5] =	stream.indirect.gather [hbm4b:s1+s20], $0x80, s20, s20, $0xb8;
	[tilespmem:$0x18200] =	vst v63  }
0x2c: {  	s12 =	simm.s32 $0x4200  }
0x2d: {  	[tilespmem:s12], [sflag:$0x6] =	stream.indirect.gather [hbm4b:s1+s20], $0x80, s15, s20, $0xb8;
	[tilespmem:$0x18200] =	vst v63  }
0x2e: {  	s13 =	simm.s32 $0xC0;
	s14 =	simm.s32 $0x6200  }
0x2f: {  	[tilespmem:s14], [sflag:$0x7] =	stream.indirect.gather [hbm4b:s1+s20], $0x80, s13, s20, $0xb8;
	[tilespmem:$0x18200] =	vst v63  }
0x30: {  	_ =	swait.ge [sflag:s28], $0x800  }
0x31: {  	[sflag:s28] =	ssyncset.done $0x0  }
0x32: {  	[sflag:s28] =	ssyncadd.s32 $0xFFFFF800  }
0x33: {  	[bflag:$0x0] =	sbarrier.arrive $0xFFFF  }
0x34: {  	s25 =	simm.s32 $0x140;
	s9 =	simm.s32 $0xE200;
	s17 =	rddreg [dreg:$0x5]  }
0x35: {  	[tilespmem:s9], [sflag:$0x9] =	stream.indirect.gather [spmem:s17], $0x80, s25, s13, $0xb8;
	[tilespmem:$0x18200] =	vst v63  }
0x36: {  	_ =	swait.ge [sflag:s31], $0x2000  }
0x37: {  	[sflag:s31] =	ssyncset.done $0x0  }
0x38: {  	[sflag:s31] =	ssyncadd.s32 $0xFFFFE000  }
0x39: {  	_ =	swait.ge [sflag:s0], $0x2000  }
0x3a: {  	[sflag:s0] =	ssyncset.done $0x0  }
0x3b: {  	s13 =	simm.s32 $0x280;
	[sflag:s0] =	ssyncadd.s32 $0xFFFFE000  }
0x3c: {  	s12 =	simm.s32 $0xC280;
	v0 =	vld [tilespmem:s13+$0x0]  }
0x3d: {  	v1 =	vld [tilespmem:s12+$0x0];
	_ =	sdelay $0x4  }
0x3e: {  	v0 =	vadd.f32 v1, v0  }
0x3f: {  	s6 =	simm.s32 $0x8280  }
0x40: {  	[tilespmem:s6+$0x0] =	vst v0  }
0x41: {  	v0 =	vld [tilespmem:s13+$0x10]  }
0x42: {  	v1 =	vld [tilespmem:s12+$0x10]  }
0x43: {  	v2 =	vld [tilespmem:s12+$0xFFFFFF80]  }
0x44: {  	v3 =	vld [tilespmem:s13+$0xFFFFFF80];
	_ =	sdelay $0x2  }
0x45: {  	v0 =	vadd.f32 v1, v0;
	_ =	sdelay $0x1  }
0x46: {  	[tilespmem:s6+$0x10] =	vst v0;
	v0 =	vadd.f32 v2, v3  }
0x47: {  	v1 =	vld [tilespmem:s13+$0x20]  }
0x48: {  	v2 =	vld [tilespmem:s12+$0x20];
	[tilespmem:s6+$0xFFFFFF80] =	vst v0  }
0x49: {  	v0 =	vld [tilespmem:s13+$0xFFFFFF90]  }
0x4a: {  	v3 =	vld [tilespmem:s12+$0xFFFFFF90];
	_ =	sdelay $0x2  }
0x4b: {  	v1 =	vadd.f32 v2, v1;
	_ =	sdelay $0x1  }
0x4c: {  	[tilespmem:s6+$0x20] =	vst v1;
	v0 =	vadd.f32 v3, v0  }
0x4d: {  	v1 =	vld [tilespmem:s13+$0x30]  }
0x4e: {  	v2 =	vld [tilespmem:s12+$0x30];
	[tilespmem:s6+$0xFFFFFF90] =	vst v0  }
0x4f: {  	v0 =	vld [tilespmem:s13+$0xFFFFFFA0]  }
0x50: {  	s7 =	simm.s32 $0x380;
	v3 =	vld [tilespmem:s12+$0xFFFFFFA0]  }
0x51: {  	s8 =	simm.s32 $0xC380;
	v4 =	vld [tilespmem:s7+$0x0]  }
0x52: {  	v5 =	vld [tilespmem:s8+$0x0]  }
0x53: {  	v6 =	vld [tilespmem:s7+$0xFFFFFF80];
	v1 =	vadd.f32 v2, v1  }
0x54: {  	v2 =	vld [tilespmem:s8+$0xFFFFFF80]  }
0x55: {  	[tilespmem:s6+$0x30] =	vst v1;
	v0 =	vadd.f32 v3, v0  }
0x56: {  	v1 =	vld [tilespmem:s13+$0x40]  }
0x57: {  	v3 =	vld [tilespmem:s12+$0x40];
	[tilespmem:s6+$0xFFFFFFA0] =	vst v0;
	v0 =	vadd.f32 v5, v4  }
0x58: {  	s17 =	simm.s32 $0x8380;
	v4 =	vld [tilespmem:s13+$0xFFFFFFB0]  }
0x59: {  	v5 =	vld [tilespmem:s12+$0xFFFFFFB0];
	v2 =	vadd.f32 v2, v6;
	[tilespmem:s17+$0x0] =	vst v0  }
0x5a: {  	v0 =	vld [tilespmem:s7+$0x10]  }
0x5b: {  	[tilespmem:s17+$0xFFFFFF80] =	vst v2;
	v2 =	vld [tilespmem:s8+$0x10]  }
0x5c: {  	v1 =	vadd.f32 v3, v1;
	v3 =	vld [tilespmem:s7+$0xFFFFFF90]  }
0x5d: {  	v6 =	vld [tilespmem:s8+$0xFFFFFF90]  }
0x5e: {  	[tilespmem:s6+$0x40] =	vst v1;
	v1 =	vadd.f32 v5, v4  }
0x5f: {  	v4 =	vld [tilespmem:s13+$0x50]  }
0x60: {  	v5 =	vld [tilespmem:s12+$0x50];
	[tilespmem:s6+$0xFFFFFFB0] =	vst v1;
	v0 =	vadd.f32 v2, v0  }
0x61: {  	v1 =	vld [tilespmem:s13+$0xFFFFFFC0]  }
0x62: {  	v2 =	vld [tilespmem:s12+$0xFFFFFFC0];
	v3 =	vadd.f32 v6, v3;
	[tilespmem:s17+$0x10] =	vst v0  }
0x63: {  	v0 =	vld [tilespmem:s7+$0x20]  }
0x64: {  	[tilespmem:s17+$0xFFFFFF90] =	vst v3;
	v3 =	vld [tilespmem:s8+$0x20]  }
0x65: {  	v4 =	vadd.f32 v5, v4;
	v5 =	vld [tilespmem:s7+$0xFFFFFFA0]  }
0x66: {  	v6 =	vld [tilespmem:s8+$0xFFFFFFA0]  }
0x67: {  	s11 =	simm.s32 $0xC480  }
0x68: {  	v8 =	vld [tilespmem:s11+$0x0];
	[tilespmem:s6+$0x50] =	vst v4  }
0x69: {  	v1 =	vadd.f32 v2, v1;
	v2 =	vld [tilespmem:s13+$0x60];
	v0 =	vadd.f32 v3, v0  }
0x6a: {  	s25 =	simm.s32 $0x480;
	v4 =	vld [tilespmem:s12+$0x60]  }
0x6b: {  	v9 =	vld [tilespmem:s25+$0xFFFFFF80];
	v5 =	vadd.f32 v6, v5;
	[tilespmem:s17+$0x20] =	vst v0  }
0x6c: {  	[tilespmem:s6+$0xFFFFFFC0] =	vst v1;
	v0 =	vld [tilespmem:s7+$0x30]  }
0x6d: {  	[tilespmem:s17+$0xFFFFFFA0] =	vst v5;
	v5 =	vld [tilespmem:s8+$0x30]  }
0x6e: {  	v1 =	vld [tilespmem:s13+$0xFFFFFFD0]  }
0x6f: {  	v3 =	vld [tilespmem:s12+$0xFFFFFFD0];
	v2 =	vadd.f32 v4, v2  }
0x70: {  	v6 =	vld [tilespmem:s25+$0x0]  }
0x71: {  	v4 =	vld [tilespmem:s7+$0xFFFFFFB0];
	[tilespmem:s6+$0x60] =	vst v2  }
0x72: {  	v2 =	vld [tilespmem:s13+$0x70];
	v0 =	vadd.f32 v5, v0  }
0x73: {  	v7 =	vld [tilespmem:s12+$0x70]  }
0x74: {  	v5 =	vld [tilespmem:s11+$0xFFFFFF80];
	[tilespmem:s17+$0x30] =	vst v0  }
0x75: {  	v0 =	vadd.f32 v3, v1;
	v1 =	vld [tilespmem:s7+$0x40]  }
0x76: {  	v3 =	vld [tilespmem:s8+$0x40]  }
0x77: {  	[tilespmem:s6+$0xFFFFFFD0] =	vst v0;
	v0 =	vadd.f32 v8, v6;
	v6 =	vld [tilespmem:s8+$0xFFFFFFB0]  }
0x78: {  	s9 =	simm.s32 $0x8480;
	v8 =	vld [tilespmem:s13+$0xFFFFFFE0]  }
0x79: {  	v5 =	vadd.f32 v5, v9;
	[tilespmem:s9+$0x0] =	vst v0;
	v0 =	vld [tilespmem:s12+$0xFFFFFFE0]  }
0x7a: {  	v61 =	vld [tilespmem:s25+$0x10]  }
0x7b: {  	[tilespmem:s9+$0xFFFFFF80] =	vst v5;
	v5 =	vld [tilespmem:s11+$0x10];
	v1 =	vadd.f32 v3, v1  }
0x7c: {  	v3 =	vld [tilespmem:s25+$0xFFFFFF90]  }
0x7d: {  	v4 =	vadd.f32 v6, v4;
	v6 =	vld [tilespmem:s11+$0xFFFFFF90];
	[tilespmem:s17+$0x40] =	vst v1  }
0x7e: {  	v1 =	vld [tilespmem:s7+$0x50]  }
0x7f: {  	[tilespmem:s17+$0xFFFFFFB0] =	vst v4;
	v0 =	vadd.f32 v0, v8;
	v4 =	vld [tilespmem:s8+$0x50]  }
0x80: {  	v5 =	vadd.f32 v5, v61;
	v8 =	vld [tilespmem:s7+$0xFFFFFFC0]  }
0x81: {  	v62 =	vld [tilespmem:s8+$0xFFFFFFC0];
	[tilespmem:s6+$0xFFFFFFE0] =	vst v0  }
0x82: {  	v3 =	vadd.f32 v6, v3;
	[tilespmem:s9+$0x10] =	vst v5;
	v0 =	vld [tilespmem:s13+$0xFFFFFFF0]  }
0x83: {  	v5 =	vld [tilespmem:s25+$0x20]  }
0x84: {  	[tilespmem:s9+$0xFFFFFF90] =	vst v3;
	v3 =	vld [tilespmem:s11+$0x20];
	v1 =	vadd.f32 v4, v1  }
0x85: {  	v6 =	vld [tilespmem:s25+$0xFFFFFFA0]  }
0x86: {  	v10 =	vld [tilespmem:s11+$0xFFFFFFA0];
	v4 =	vadd.f32 v62, v8;
	[tilespmem:s17+$0x50] =	vst v1  }
0x87: {  	v8 =	vld [tilespmem:s7+$0x60]  }
0x88: {  	[tilespmem:s17+$0xFFFFFFC0] =	vst v4;
	v63 =	vld [tilespmem:s8+$0x60]  }
0x89: {  	v4 =	vld [tilespmem:s8+$0xFFFFFFD0];
	v1 =	vadd.f32 v3, v5  }
0x8a: {  	v3 =	vld [tilespmem:s7+$0xFFFFFFD0]  }
0x8b: {  	v5 =	vadd.f32 v10, v6;
	[tilespmem:s9+$0x20] =	vst v1;
	v1 =	vld [tilespmem:s12+$0xFFFFFFF0]  }
0x8c: {  	v2 =	vadd.f32 v7, v2;
	v6 =	vld [tilespmem:s25+$0x30]  }
0x8d: {  	[tilespmem:s9+$0xFFFFFFA0] =	vst v5;
	v7 =	vld [tilespmem:s11+$0x30];
	v5 =	vadd.f32 v63, v8  }
0x8e: {  	s14 =	simm.s32 $0x580;
	[tilespmem:s6+$0x70] =	vst v2;
	s13 =	simm.s32 $0x4;
	s12 =	simm.s32 $0xC480;
	v2 =	vld [tilespmem:s25+$0xFFFFFFB0]  }
.LBB2_2:
0x8f: {  	v8 =	vld [tilespmem:s14+$0x0];
	v3 =	vadd.f32 v4, v3;
	[tilespmem:s17+$0x60] =	vst v5  }
0x90: {  	v4 =	vld [tilespmem:s7+$0x70];
	v0 =	vadd.f32 v1, v0  }
0x91: {  	s11 =	sadd.s32 $0x100, s11;
	[tilespmem:s17+$0xFFFFFFD0] =	vst v3;
	v1 =	vld [tilespmem:s8+$0x70]  }
0x92: {  	v3 =	vld [tilespmem:s11+$0x0];
	v5 =	vadd.f32 v7, v6;
	[tilespmem:s6+$0xFFFFFFF0] =	vst v0;
	s6 =	smov.u32 s17;
	s17 =	smov.u32 s9  }
0x93: {  	v0 =	vld [tilespmem:s11+$0xFFFFFF80]  }
0x94: {  	v6 =	vld [tilespmem:s14+$0xFFFFFF80];
	[tilespmem:s9+$0x30] =	vst v5  }
0x95: {  	v5 =	vld [tilespmem:s25+$0x40]  }
0x96: {  	v7 =	vld [tilespmem:s12+$0x40];
	v1 =	vadd.f32 v1, v4  }
0x97: {  	v3 =	vadd.f32 v3, v8;
	v4 =	vld [tilespmem:s12+$0xFFFFFFB0]  }
0x98: {  	s9 =	sadd.s32 $0x100, s9;
	v8 =	vld [tilespmem:s7+$0xFFFFFFE0];
	[tilespmem:s6+$0x70] =	vst v1  }
0x99: {  	s13 =	sadd.s32 $0x2, s13;
	v0 =	vadd.f32 v0, v6;
	[tilespmem:s9+$0x0] =	vst v3;
	v1 =	vld [tilespmem:s8+$0xFFFFFFE0]  }
0x9a: {  	p0 =	slt.u32 s13, $0x3E;
	v3 =	vld [tilespmem:s14+$0x10]  }
0x9b: {  	[tilespmem:s9+$0xFFFFFF80] =	vst v0;
	v0 =	vld [tilespmem:s11+$0x10];
	v5 =	vadd.f32 v7, v5  }
0x9c: {  	v6 =	vld [tilespmem:s14+$0xFFFFFF90];
	v2 =	vadd.f32 v4, v2  }
0x9d: {  	v4 =	vld [tilespmem:s11+$0xFFFFFF90];
	[tilespmem:s17+$0x40] =	vst v5  }
0x9e: {  	[tilespmem:s17+$0xFFFFFFB0] =	vst v2;
	v2 =	vld [tilespmem:s25+$0x50];
	v1 =	vadd.f32 v1, v8  }
0x9f: {  	v5 =	vld [tilespmem:s12+$0x50]  }
0xa0: {  	v0 =	vadd.f32 v0, v3;
	v3 =	vld [tilespmem:s25+$0xFFFFFFC0];
	[tilespmem:s6+$0xFFFFFFE0] =	vst v1  }
0xa1: {  	v1 =	vld [tilespmem:s12+$0xFFFFFFC0]  }
0xa2: {  	v4 =	vadd.f32 v4, v6;
	[tilespmem:s9+$0x10] =	vst v0;
	v0 =	vld [tilespmem:s7+$0xFFFFFFF0];
	s7 =	smov.u32 s25;
	s25 =	smov.u32 s14  }
0xa3: {  	v6 =	vld [tilespmem:s14+$0x20]  }
0xa4: {  	[tilespmem:s9+$0xFFFFFF90] =	vst v4;
	v4 =	vld [tilespmem:s11+$0x20];
	v2 =	vadd.f32 v5, v2  }
0xa5: {  	v5 =	vld [tilespmem:s14+$0xFFFFFFA0]  }
0xa6: {  	v7 =	vld [tilespmem:s11+$0xFFFFFFA0];
	v1 =	vadd.f32 v1, v3;
	[tilespmem:s17+$0x50] =	vst v2  }
0xa7: {  	v2 =	vld [tilespmem:s7+$0x60]  }
0xa8: {  	[tilespmem:s17+$0xFFFFFFC0] =	vst v1;
	v8 =	vld [tilespmem:s12+$0x60]  }
0xa9: {  	v1 =	vadd.f32 v4, v6;
	v3 =	vld [tilespmem:s7+$0xFFFFFFD0]  }
.Ltmp0:
0xaa: {  	v4 =	vld [tilespmem:s12+$0xFFFFFFD0];
	(pc) =	sbr.rel @p0 .LBB2_2-.Ltmp0, $4  }
0xab: {  	v5 =	vadd.f32 v7, v5;
	[tilespmem:s9+$0x20] =	vst v1;
	v1 =	vld [tilespmem:s8+$0xFFFFFFF0];
	s8 =	smov.u32 s12;
	s12 =	smov.u32 s11  }
0xac: {  	v6 =	vld [tilespmem:s14+$0x30]  }
0xad: {  	[tilespmem:s9+$0xFFFFFFA0] =	vst v5;
	v7 =	vld [tilespmem:s11+$0x30];
	v5 =	vadd.f32 v8, v2  }
0xae: {  	s14 =	sadd.s32 $0x100, s14;
	v2 =	vld [tilespmem:s25+$0xFFFFFFB0]  }
0xaf: {  	v8 =	vld [tilespmem:s12+$0xFFFFFFB0];
	_ =	sdelay $0x2  }
0xb0: {  	v6 =	vadd.f32 v7, v6;
	_ =	sdelay $0x1  }
0xb1: {  	[tilespmem:s9+$0x30] =	vst v6;
	v2 =	vadd.f32 v8, v2  }
0xb2: {  	v6 =	vld [tilespmem:s25+$0x40]  }
0xb3: {  	v7 =	vld [tilespmem:s12+$0x40];
	[tilespmem:s9+$0xFFFFFFB0] =	vst v2  }
0xb4: {  	v2 =	vld [tilespmem:s25+$0xFFFFFFC0]  }
0xb5: {  	v8 =	vld [tilespmem:s12+$0xFFFFFFC0];
	_ =	sdelay $0x2  }
0xb6: {  	v6 =	vadd.f32 v7, v6;
	_ =	sdelay $0x1  }
0xb7: {  	[tilespmem:s9+$0x40] =	vst v6;
	v2 =	vadd.f32 v8, v2  }
0xb8: {  	v6 =	vld [tilespmem:s25+$0x50]  }
0xb9: {  	v7 =	vld [tilespmem:s12+$0x50];
	[tilespmem:s9+$0xFFFFFFC0] =	vst v2  }
0xba: {  	v2 =	vld [tilespmem:s25+$0xFFFFFFD0]  }
0xbb: {  	v8 =	vld [tilespmem:s12+$0xFFFFFFD0]  }
0xbc: {  	v3 =	vadd.f32 v4, v3;
	_ =	sdelay $0x1  }
0xbd: {  	[tilespmem:s17+$0xFFFFFFD0] =	vst v3;
	v3 =	vadd.f32 v7, v6  }
0xbe: {  	v4 =	vld [tilespmem:s7+$0xFFFFFFE0]  }
0xbf: {  	v6 =	vld [tilespmem:s8+$0xFFFFFFE0];
	[tilespmem:s9+$0x50] =	vst v3;
	v2 =	vadd.f32 v8, v2  }
0xc0: {  	v3 =	vld [tilespmem:s25+$0x60]  }
0xc1: {  	v7 =	vld [tilespmem:s12+$0x60];
	[tilespmem:s9+$0xFFFFFFD0] =	vst v2  }
0xc2: {  	v2 =	vld [tilespmem:s25+$0xFFFFFFE0]  }
0xc3: {  	v8 =	vld [tilespmem:s12+$0xFFFFFFE0]  }
0xc4: {  	[tilespmem:s17+$0x60] =	vst v5;
	v4 =	vadd.f32 v6, v4  }
0xc5: {  	v5 =	vld [tilespmem:s7+$0x70]  }
0xc6: {  	v6 =	vld [tilespmem:s8+$0x70];
	[tilespmem:s17+$0xFFFFFFE0] =	vst v4;
	v3 =	vadd.f32 v7, v3  }
0xc7: {  	v4 =	vld [tilespmem:s7+$0xFFFFFFF0]  }
0xc8: {  	v7 =	vld [tilespmem:s8+$0xFFFFFFF0];
	[tilespmem:s9+$0x60] =	vst v3;
	v2 =	vadd.f32 v8, v2  }
0xc9: {  	v3 =	vld [tilespmem:s25+$0x70]  }
0xca: {  	v8 =	vld [tilespmem:s12+$0x70];
	[tilespmem:s9+$0xFFFFFFE0] =	vst v2  }
0xcb: {  	v2 =	vld [tilespmem:s25+$0xFFFFFFF0]  }
0xcc: {  	v9 =	vld [tilespmem:s12+$0xFFFFFFF0]  }
0xcd: {  	v0 =	vadd.f32 v1, v0  }
0xce: {  	v1 =	vadd.f32 v6, v5  }
0xcf: {  	[tilespmem:s6+$0xFFFFFFF0] =	vst v0;
	v0 =	vadd.f32 v7, v4  }
0xd0: {  	[tilespmem:s17+$0x70] =	vst v1;
	v1 =	vadd.f32 v8, v3  }
0xd1: {  	[tilespmem:s17+$0xFFFFFFF0] =	vst v0;
	v0 =	vadd.f32 v9, v2  }
0xd2: {  	[tilespmem:s9+$0x70] =	vst v1  }
0xd3: {  	[tilespmem:s9+$0xFFFFFFF0] =	vst v0  }
0xd4: {  	[hbm4b:s10+s5] =	stream.linear.scatter [tilespmem:s3], [sflag:$0xA], $0x2000, $0x38;
	[tilespmem:$0x18200] =	vst v63  }
0xd5: {  	_ =	swait.ge [sflag:s2], $0x2000  }
0xd6: {  	[sflag:s2] =	ssyncset.done $0x0  }
0xd7: {  	[sflag:s2] =	ssyncadd.s32 $0xFFFFE000  }
0xd8: {  	_ =	swait.ge [sflag:s4], $0x6000  }
0xd9: {  	[sflag:s4] =	ssyncset.done $0x0  }
0xda: {  	s13 =	simm.s32 $0x22F0;
	[sflag:s4] =	ssyncadd.s32 $0xFFFFA000  }
0xdb: {  	s14 =	simm.s32 $0xE2F0;
	v0 =	vld [tilespmem:s13+$0xFFFFFF90]  }
0xdc: {  	v1 =	vld [tilespmem:s14+$0xFFFFFF90];
	_ =	sdelay $0x4  }
0xdd: {  	v0 =	vadd.f32 v1, v0  }
0xde: {  	s6 =	simm.s32 $0xA2F0  }
0xdf: {  	[tilespmem:s6+$0xFFFFFF90] =	vst v0  }
0xe0: {  	v0 =	vld [tilespmem:s13+$0xFFFFFFA0]  }
0xe1: {  	v1 =	vld [tilespmem:s14+$0xFFFFFFA0]  }
0xe2: {  	v2 =	vld [tilespmem:s14+$0xFFFFFF10]  }
0xe3: {  	v3 =	vld [tilespmem:s13+$0xFFFFFF10];
	_ =	sdelay $0x2  }
0xe4: {  	v0 =	vadd.f32 v1, v0;
	_ =	sdelay $0x1  }
0xe5: {  	[tilespmem:s6+$0xFFFFFFA0] =	vst v0;
	v0 =	vadd.f32 v2, v3  }
0xe6: {  	v1 =	vld [tilespmem:s13+$0xFFFFFFB0]  }
0xe7: {  	v2 =	vld [tilespmem:s14+$0xFFFFFFB0];
	[tilespmem:s6+$0xFFFFFF10] =	vst v0  }
0xe8: {  	v0 =	vld [tilespmem:s13+$0xFFFFFF20]  }
0xe9: {  	v3 =	vld [tilespmem:s14+$0xFFFFFF20];
	_ =	sdelay $0x2  }
0xea: {  	v1 =	vadd.f32 v2, v1;
	_ =	sdelay $0x1  }
0xeb: {  	[tilespmem:s6+$0xFFFFFFB0] =	vst v1;
	v0 =	vadd.f32 v3, v0  }
0xec: {  	v1 =	vld [tilespmem:s13+$0xFFFFFFC0]  }
0xed: {  	v2 =	vld [tilespmem:s14+$0xFFFFFFC0];
	[tilespmem:s6+$0xFFFFFF20] =	vst v0  }
0xee: {  	v0 =	vld [tilespmem:s13+$0xFFFFFF30]  }
0xef: {  	s7 =	simm.s32 $0x23F0;
	v3 =	vld [tilespmem:s14+$0xFFFFFF30]  }
0xf0: {  	s8 =	simm.s32 $0xE3F0;
	v4 =	vld [tilespmem:s7+$0xFFFFFF90]  }
0xf1: {  	v5 =	vld [tilespmem:s8+$0xFFFFFF90]  }
0xf2: {  	v6 =	vld [tilespmem:s7+$0xFFFFFF10];
	v1 =	vadd.f32 v2, v1  }
0xf3: {  	v2 =	vld [tilespmem:s8+$0xFFFFFF10]  }
0xf4: {  	[tilespmem:s6+$0xFFFFFFC0] =	vst v1;
	v0 =	vadd.f32 v3, v0  }
0xf5: {  	v1 =	vld [tilespmem:s13+$0xFFFFFFD0]  }
0xf6: {  	v3 =	vld [tilespmem:s14+$0xFFFFFFD0];
	[tilespmem:s6+$0xFFFFFF30] =	vst v0;
	v0 =	vadd.f32 v5, v4  }
0xf7: {  	s17 =	simm.s32 $0xA3F0;
	v4 =	vld [tilespmem:s13+$0xFFFFFF40]  }
0xf8: {  	v5 =	vld [tilespmem:s14+$0xFFFFFF40];
	v2 =	vadd.f32 v2, v6;
	[tilespmem:s17+$0xFFFFFF90] =	vst v0  }
0xf9: {  	v0 =	vld [tilespmem:s7+$0xFFFFFFA0]  }
0xfa: {  	[tilespmem:s17+$0xFFFFFF10] =	vst v2;
	v2 =	vld [tilespmem:s8+$0xFFFFFFA0]  }
0xfb: {  	v1 =	vadd.f32 v3, v1;
	v3 =	vld [tilespmem:s7+$0xFFFFFF20]  }
0xfc: {  	v6 =	vld [tilespmem:s8+$0xFFFFFF20]  }
0xfd: {  	[tilespmem:s6+$0xFFFFFFD0] =	vst v1;
	v1 =	vadd.f32 v5, v4  }
0xfe: {  	v4 =	vld [tilespmem:s13+$0xFFFFFFE0]  }
0xff: {  	v5 =	vld [tilespmem:s14+$0xFFFFFFE0];
	[tilespmem:s6+$0xFFFFFF40] =	vst v1;
	v0 =	vadd.f32 v2, v0  }
0x100: {  	v1 =	vld [tilespmem:s13+$0xFFFFFF50]  }
0x101: {  	v2 =	vld [tilespmem:s14+$0xFFFFFF50];
	v3 =	vadd.f32 v6, v3;
	[tilespmem:s17+$0xFFFFFFA0] =	vst v0  }
0x102: {  	v0 =	vld [tilespmem:s7+$0xFFFFFFB0]  }
0x103: {  	[tilespmem:s17+$0xFFFFFF20] =	vst v3;
	v3 =	vld [tilespmem:s8+$0xFFFFFFB0]  }
0x104: {  	v4 =	vadd.f32 v5, v4;
	v5 =	vld [tilespmem:s7+$0xFFFFFF30]  }
0x105: {  	v6 =	vld [tilespmem:s8+$0xFFFFFF30]  }
0x106: {  	s11 =	simm.s32 $0xE4F0  }
0x107: {  	v8 =	vld [tilespmem:s11+$0xFFFFFF90];
	[tilespmem:s6+$0xFFFFFFE0] =	vst v4  }
0x108: {  	v1 =	vadd.f32 v2, v1;
	v2 =	vld [tilespmem:s13+$0xFFFFFFF0];
	v0 =	vadd.f32 v3, v0  }
0x109: {  	s25 =	simm.s32 $0x24F0;
	v4 =	vld [tilespmem:s14+$0xFFFFFFF0]  }
0x10a: {  	v60 =	vld [tilespmem:s25+$0xFFFFFF10];
	v5 =	vadd.f32 v6, v5;
	[tilespmem:s17+$0xFFFFFFB0] =	vst v0  }
0x10b: {  	[tilespmem:s6+$0xFFFFFF50] =	vst v1;
	v0 =	vld [tilespmem:s7+$0xFFFFFFC0]  }
0x10c: {  	[tilespmem:s17+$0xFFFFFF30] =	vst v5;
	v5 =	vld [tilespmem:s8+$0xFFFFFFC0]  }
0x10d: {  	v1 =	vld [tilespmem:s13+$0xFFFFFF60]  }
0x10e: {  	v3 =	vld [tilespmem:s14+$0xFFFFFF60];
	v2 =	vadd.f32 v4, v2  }
0x10f: {  	v6 =	vld [tilespmem:s25+$0xFFFFFF90]  }
0x110: {  	v4 =	vld [tilespmem:s7+$0xFFFFFF40];
	[tilespmem:s6+$0xFFFFFFF0] =	vst v2  }
0x111: {  	v2 =	vld [tilespmem:s13+$0x0];
	v0 =	vadd.f32 v5, v0  }
0x112: {  	v7 =	vld [tilespmem:s14+$0x0]  }
0x113: {  	v5 =	vld [tilespmem:s11+$0xFFFFFF10];
	[tilespmem:s17+$0xFFFFFFC0] =	vst v0  }
0x114: {  	v0 =	vadd.f32 v3, v1;
	v1 =	vld [tilespmem:s7+$0xFFFFFFD0]  }
0x115: {  	v3 =	vld [tilespmem:s8+$0xFFFFFFD0]  }
0x116: {  	[tilespmem:s6+$0xFFFFFF60] =	vst v0;
	v0 =	vadd.f32 v8, v6;
	v6 =	vld [tilespmem:s8+$0xFFFFFF40]  }
0x117: {  	s9 =	simm.s32 $0xA4F0;
	v8 =	vld [tilespmem:s13+$0xFFFFFF70]  }
0x118: {  	v5 =	vadd.f32 v5, v60;
	[tilespmem:s9+$0xFFFFFF90] =	vst v0;
	v0 =	vld [tilespmem:s14+$0xFFFFFF70]  }
0x119: {  	v61 =	vld [tilespmem:s25+$0xFFFFFFA0]  }
0x11a: {  	[tilespmem:s9+$0xFFFFFF10] =	vst v5;
	v5 =	vld [tilespmem:s11+$0xFFFFFFA0];
	v1 =	vadd.f32 v3, v1  }
0x11b: {  	v3 =	vld [tilespmem:s25+$0xFFFFFF20]  }
0x11c: {  	v4 =	vadd.f32 v6, v4;
	v6 =	vld [tilespmem:s11+$0xFFFFFF20];
	[tilespmem:s17+$0xFFFFFFD0] =	vst v1  }
0x11d: {  	v1 =	vld [tilespmem:s7+$0xFFFFFFE0]  }
0x11e: {  	[tilespmem:s17+$0xFFFFFF40] =	vst v4;
	v0 =	vadd.f32 v0, v8;
	v4 =	vld [tilespmem:s8+$0xFFFFFFE0]  }
0x11f: {  	v5 =	vadd.f32 v5, v61;
	v8 =	vld [tilespmem:s7+$0xFFFFFF50]  }
0x120: {  	v62 =	vld [tilespmem:s8+$0xFFFFFF50];
	[tilespmem:s6+$0xFFFFFF70] =	vst v0  }
0x121: {  	v3 =	vadd.f32 v6, v3;
	[tilespmem:s9+$0xFFFFFFA0] =	vst v5;
	v0 =	vld [tilespmem:s13+$0xFFFFFF80]  }
0x122: {  	v5 =	vld [tilespmem:s25+$0xFFFFFFB0]  }
0x123: {  	[tilespmem:s9+$0xFFFFFF20] =	vst v3;
	v3 =	vld [tilespmem:s11+$0xFFFFFFB0];
	v1 =	vadd.f32 v4, v1  }
0x124: {  	v6 =	vld [tilespmem:s25+$0xFFFFFF30]  }
0x125: {  	v10 =	vld [tilespmem:s11+$0xFFFFFF30];
	v4 =	vadd.f32 v62, v8;
	[tilespmem:s17+$0xFFFFFFE0] =	vst v1  }
0x126: {  	v8 =	vld [tilespmem:s7+$0xFFFFFFF0]  }
0x127: {  	[tilespmem:s17+$0xFFFFFF50] =	vst v4;
	v63 =	vld [tilespmem:s8+$0xFFFFFFF0]  }
0x128: {  	v4 =	vld [tilespmem:s8+$0xFFFFFF60];
	v1 =	vadd.f32 v3, v5  }
0x129: {  	v3 =	vld [tilespmem:s7+$0xFFFFFF60]  }
0x12a: {  	v5 =	vadd.f32 v10, v6;
	[tilespmem:s9+$0xFFFFFFB0] =	vst v1;
	v1 =	vld [tilespmem:s14+$0xFFFFFF80]  }
0x12b: {  	v2 =	vadd.f32 v7, v2;
	v6 =	vld [tilespmem:s25+$0xFFFFFFC0]  }
0x12c: {  	[tilespmem:s9+$0xFFFFFF30] =	vst v5;
	v7 =	vld [tilespmem:s11+$0xFFFFFFC0];
	v5 =	vadd.f32 v63, v8  }
0x12d: {  	s12 =	simm.s32 $0xE4F0;
	[tilespmem:s6+$0x0] =	vst v2;
	s13 =	simm.s32 $0x4;
	s14 =	simm.s32 $0x25F0;
	v2 =	vld [tilespmem:s25+$0xFFFFFF40]  }
.LBB2_4:
0x12e: {  	v8 =	vld [tilespmem:s14+$0xFFFFFF90];
	v3 =	vadd.f32 v4, v3;
	[tilespmem:s17+$0xFFFFFFF0] =	vst v5  }
0x12f: {  	v4 =	vld [tilespmem:s7+$0x0];
	v0 =	vadd.f32 v1, v0  }
0x130: {  	s11 =	sadd.s32 $0x100, s11;
	[tilespmem:s17+$0xFFFFFF60] =	vst v3;
	v1 =	vld [tilespmem:s8+$0x0]  }
0x131: {  	v3 =	vld [tilespmem:s11+$0xFFFFFF90];
	v5 =	vadd.f32 v7, v6;
	[tilespmem:s6+$0xFFFFFF80] =	vst v0;
	s6 =	smov.u32 s17;
	s17 =	smov.u32 s9  }
0x132: {  	v0 =	vld [tilespmem:s11+$0xFFFFFF10]  }
0x133: {  	v6 =	vld [tilespmem:s14+$0xFFFFFF10];
	[tilespmem:s9+$0xFFFFFFC0] =	vst v5  }
0x134: {  	v5 =	vld [tilespmem:s25+$0xFFFFFFD0]  }
0x135: {  	v7 =	vld [tilespmem:s12+$0xFFFFFFD0];
	v1 =	vadd.f32 v1, v4  }
0x136: {  	v3 =	vadd.f32 v3, v8;
	v4 =	vld [tilespmem:s12+$0xFFFFFF40]  }
0x137: {  	s9 =	sadd.s32 $0x100, s9;
	v8 =	vld [tilespmem:s7+$0xFFFFFF70];
	[tilespmem:s6+$0x0] =	vst v1  }
0x138: {  	s13 =	sadd.s32 $0x2, s13;
	v0 =	vadd.f32 v0, v6;
	[tilespmem:s9+$0xFFFFFF90] =	vst v3;
	v1 =	vld [tilespmem:s8+$0xFFFFFF70]  }
0x139: {  	p0 =	slt.u32 s13, $0x3E;
	v3 =	vld [tilespmem:s14+$0xFFFFFFA0]  }
0x13a: {  	[tilespmem:s9+$0xFFFFFF10] =	vst v0;
	v0 =	vld [tilespmem:s11+$0xFFFFFFA0];
	v5 =	vadd.f32 v7, v5  }
0x13b: {  	v6 =	vld [tilespmem:s14+$0xFFFFFF20];
	v2 =	vadd.f32 v4, v2  }
0x13c: {  	v4 =	vld [tilespmem:s11+$0xFFFFFF20];
	[tilespmem:s17+$0xFFFFFFD0] =	vst v5  }
0x13d: {  	[tilespmem:s17+$0xFFFFFF40] =	vst v2;
	v2 =	vld [tilespmem:s25+$0xFFFFFFE0];
	v1 =	vadd.f32 v1, v8  }
0x13e: {  	v5 =	vld [tilespmem:s12+$0xFFFFFFE0]  }
0x13f: {  	v0 =	vadd.f32 v0, v3;
	v3 =	vld [tilespmem:s25+$0xFFFFFF50];
	[tilespmem:s6+$0xFFFFFF70] =	vst v1  }
0x140: {  	v1 =	vld [tilespmem:s12+$0xFFFFFF50]  }
0x141: {  	v4 =	vadd.f32 v4, v6;
	[tilespmem:s9+$0xFFFFFFA0] =	vst v0;
	v0 =	vld [tilespmem:s7+$0xFFFFFF80];
	s7 =	smov.u32 s25;
	s25 =	smov.u32 s14  }
0x142: {  	v6 =	vld [tilespmem:s14+$0xFFFFFFB0]  }
0x143: {  	[tilespmem:s9+$0xFFFFFF20] =	vst v4;
	v4 =	vld [tilespmem:s11+$0xFFFFFFB0];
	v2 =	vadd.f32 v5, v2  }
0x144: {  	v5 =	vld [tilespmem:s14+$0xFFFFFF30]  }
0x145: {  	v7 =	vld [tilespmem:s11+$0xFFFFFF30];
	v1 =	vadd.f32 v1, v3;
	[tilespmem:s17+$0xFFFFFFE0] =	vst v2  }
0x146: {  	v2 =	vld [tilespmem:s7+$0xFFFFFFF0]  }
0x147: {  	[tilespmem:s17+$0xFFFFFF50] =	vst v1;
	v8 =	vld [tilespmem:s12+$0xFFFFFFF0]  }
0x148: {  	v1 =	vadd.f32 v4, v6;
	v3 =	vld [tilespmem:s7+$0xFFFFFF60]  }
.Ltmp1:
0x149: {  	v4 =	vld [tilespmem:s12+$0xFFFFFF60];
	(pc) =	sbr.rel @p0 .LBB2_4-.Ltmp1, $4  }
0x14a: {  	v5 =	vadd.f32 v7, v5;
	[tilespmem:s9+$0xFFFFFFB0] =	vst v1;
	v1 =	vld [tilespmem:s8+$0xFFFFFF80];
	s8 =	smov.u32 s12;
	s12 =	smov.u32 s11  }
0x14b: {  	v6 =	vld [tilespmem:s14+$0xFFFFFFC0]  }
0x14c: {  	[tilespmem:s9+$0xFFFFFF30] =	vst v5;
	v7 =	vld [tilespmem:s11+$0xFFFFFFC0];
	v5 =	vadd.f32 v8, v2  }
0x14d: {  	s14 =	sadd.s32 $0x100, s14;
	v2 =	vld [tilespmem:s25+$0xFFFFFF40]  }
0x14e: {  	v8 =	vld [tilespmem:s12+$0xFFFFFF40];
	_ =	sdelay $0x2  }
0x14f: {  	v6 =	vadd.f32 v7, v6;
	_ =	sdelay $0x1  }
0x150: {  	[tilespmem:s9+$0xFFFFFFC0] =	vst v6;
	v2 =	vadd.f32 v8, v2  }
0x151: {  	v6 =	vld [tilespmem:s25+$0xFFFFFFD0]  }
0x152: {  	v7 =	vld [tilespmem:s12+$0xFFFFFFD0];
	[tilespmem:s9+$0xFFFFFF40] =	vst v2  }
0x153: {  	v2 =	vld [tilespmem:s25+$0xFFFFFF50]  }
0x154: {  	v57 =	vld [tilespmem:s12+$0xFFFFFF50];
	_ =	sdelay $0x2  }
0x155: {  	v6 =	vadd.f32 v7, v6;
	_ =	sdelay $0x1  }
0x156: {  	[tilespmem:s9+$0xFFFFFFD0] =	vst v6;
	v2 =	vadd.f32 v57, v2  }
0x157: {  	v6 =	vld [tilespmem:s25+$0xFFFFFFE0]  }
0x158: {  	v7 =	vld [tilespmem:s12+$0xFFFFFFE0];
	[tilespmem:s9+$0xFFFFFF50] =	vst v2  }
0x159: {  	v2 =	vld [tilespmem:s25+$0xFFFFFF60]  }
0x15a: {  	v58 =	vld [tilespmem:s12+$0xFFFFFF60]  }
0x15b: {  	v3 =	vadd.f32 v4, v3;
	_ =	sdelay $0x1  }
0x15c: {  	[tilespmem:s17+$0xFFFFFF60] =	vst v3;
	v3 =	vadd.f32 v7, v6  }
0x15d: {  	v4 =	vld [tilespmem:s7+$0xFFFFFF70]  }
0x15e: {  	v6 =	vld [tilespmem:s8+$0xFFFFFF70];
	[tilespmem:s9+$0xFFFFFFE0] =	vst v3;
	v2 =	vadd.f32 v58, v2  }
0x15f: {  	v3 =	vld [tilespmem:s25+$0xFFFFFFF0]  }
0x160: {  	v7 =	vld [tilespmem:s12+$0xFFFFFFF0];
	[tilespmem:s9+$0xFFFFFF60] =	vst v2  }
0x161: {  	v2 =	vld [tilespmem:s25+$0xFFFFFF70]  }
0x162: {  	v59 =	vld [tilespmem:s12+$0xFFFFFF70]  }
0x163: {  	[tilespmem:s17+$0xFFFFFFF0] =	vst v5;
	v4 =	vadd.f32 v6, v4  }
0x164: {  	v5 =	vld [tilespmem:s7+$0x0]  }
0x165: {  	v6 =	vld [tilespmem:s8+$0x0];
	[tilespmem:s17+$0xFFFFFF70] =	vst v4;
	v3 =	vadd.f32 v7, v3  }
0x166: {  	v4 =	vld [tilespmem:s7+$0xFFFFFF80]  }
0x167: {  	v7 =	vld [tilespmem:s8+$0xFFFFFF80];
	[tilespmem:s9+$0xFFFFFFF0] =	vst v3;
	v2 =	vadd.f32 v59, v2  }
0x168: {  	v3 =	vld [tilespmem:s25+$0x0]  }
0x169: {  	v60 =	vld [tilespmem:s12+$0x0];
	[tilespmem:s9+$0xFFFFFF70] =	vst v2  }
0x16a: {  	v2 =	vld [tilespmem:s25+$0xFFFFFF80]  }
0x16b: {  	v9 =	vld [tilespmem:s12+$0xFFFFFF80]  }
0x16c: {  	v0 =	vadd.f32 v1, v0  }
0x16d: {  	v1 =	vadd.f32 v6, v5  }
0x16e: {  	[tilespmem:s6+$0xFFFFFF80] =	vst v0;
	v0 =	vadd.f32 v7, v4  }
0x16f: {  	[tilespmem:s17+$0x0] =	vst v1;
	v1 =	vadd.f32 v60, v3  }
0x170: {  	[tilespmem:s17+$0xFFFFFF80] =	vst v0;
	v0 =	vadd.f32 v9, v2  }
0x171: {  	[tilespmem:s9+$0x0] =	vst v1  }
0x172: {  	[tilespmem:s9+$0xFFFFFF80] =	vst v0  }
0x173: {  	s17 =	simm.s32 $0x0;
	s25 =	rddreg [dreg:$0xb]  }
0x174: {  	[hbm4b:s25+s17] =	stream.linear.scatter [tilespmem:s21], [sflag:$0xB], $0x2000, $0x38;
	[tilespmem:$0x18200] =	vst v63  }
0x175: {  	_ =	swait.ge [sflag:s23], $0x2000  }
0x176: {  	[sflag:s23] =	ssyncset.done $0x0  }
0x177: {  	[sflag:s23] =	ssyncadd.s32 $0xFFFFE000  }
0x178: {  	_ =	swait.ge [sflag:s24], $0x2000  }
0x179: {  	[sflag:s24] =	ssyncset.done $0x0  }
0x17a: {  	s6 =	simm.s32 $0x0;
	[sflag:s24] =	ssyncadd.s32 $0xFFFFE000  }
0x17b: {  	v0 =	vld [tilespmem:s6+$0x4200]  }
0x17c: {  	v1 =	vld [tilespmem:s6+$0x10200]  }
0x17d: {  	v2 =	vld [tilespmem:s6+$0x4210]  }
0x17e: {  	v3 =	vld [tilespmem:s6+$0x10210]  }
0x17f: {  	v4 =	vld [tilespmem:s6+$0x4220]  }
0x180: {  	v5 =	vld [tilespmem:s6+$0x10220]  }
0x181: {  	v6 =	vld [tilespmem:s6+$0x10230]  }
0x182: {  	v7 =	vld [tilespmem:s6+$0x42F0]  }
0x183: {  	v61 =	vld [tilespmem:s6+$0x102F0]  }
0x184: {  	v62 =	vld [tilespmem:s6+$0x4270];
	v0 =	vadd.f32 v1, v0  }
0x185: {  	v1 =	vld [tilespmem:s6+$0x4230]  }
0x186: {  	[tilespmem:s6+$0x8200] =	vst v0;
	v0 =	vadd.f32 v3, v2;
	v2 =	vld [tilespmem:s6+$0x4240]  }
0x187: {  	v3 =	vld [tilespmem:s6+$0x10240]  }
0x188: {  	[tilespmem:s6+$0x8210] =	vst v0;
	v0 =	vadd.f32 v5, v4;
	v4 =	vld [tilespmem:s6+$0x4250]  }
0x189: {  	v5 =	vld [tilespmem:s6+$0x10250]  }
0x18a: {  	[tilespmem:s6+$0x8220] =	vst v0;
	v0 =	vadd.f32 v6, v1;
	v6 =	vld [tilespmem:s6+$0x4260]  }
0x18b: {  	v1 =	vadd.f32 v61, v7;
	v7 =	vld [tilespmem:s6+$0x10260]  }
0x18c: {  	[tilespmem:s6+$0x8230] =	vst v0;
	v0 =	vld [tilespmem:s6+$0x4280]  }
0x18d: {  	[tilespmem:s6+$0x82F0] =	vst v1;
	v1 =	vld [tilespmem:s6+$0x10280]  }
0x18e: {  	v63 =	vld [tilespmem:s6+$0x4290]  }
0x18f: {  	v10 =	vld [tilespmem:s6+$0x10290]  }
0x190: {  	v11 =	vld [tilespmem:s6+$0x42A0]  }
0x191: {  	v12 =	vld [tilespmem:s6+$0x102A0];
	v4 =	vadd.f32 v5, v4;
	v5 =	vadd.f32 v7, v6  }
0x192: {  	v0 =	vadd.f32 v1, v0;
	v1 =	vadd.f32 v3, v2;
	v3 =	vld [tilespmem:s6+$0x10270]  }
0x193: {  	v13 =	vld [tilespmem:s6+$0x42B0];
	[tilespmem:s6+$0x8250] =	vst v4  }
0x194: {  	v14 =	vld [tilespmem:s6+$0x102B0];
	[tilespmem:s6+$0x8260] =	vst v5  }
0x195: {  	v2 =	vadd.f32 v10, v63;
	[tilespmem:s6+$0x8280] =	vst v0;
	v0 =	vld [tilespmem:s6+$0x42C0]  }
0x196: {  	v4 =	vadd.f32 v12, v11;
	[tilespmem:s6+$0x8240] =	vst v1;
	v1 =	vld [tilespmem:s6+$0x102C0]  }
0x197: {  	[tilespmem:s6+$0x8290] =	vst v2;
	v2 =	vld [tilespmem:s6+$0x42D0];
	v5 =	vadd.f32 v3, v62  }
0x198: {  	[tilespmem:s6+$0x82A0] =	vst v4;
	v3 =	vld [tilespmem:s6+$0x102D0]  }
0x199: {  	s7 =	simm.s32 $0x0;
	s8 =	simm.s32 $0x400;
	v4 =	vld [tilespmem:s6+$0x42E0];
	[tilespmem:s6+$0x8270] =	vst v5;
	v5 =	vadd.f32 v14, v13  }
.LBB2_6:
0x19a: {  	s9 =	sshra.s32 s8, $0x2;
	v6 =	vld [tilespmem:s6+$0x102E0]  }
0x19b: {  	s7 =	sadd.s32 $0x2, s7;
	v7 =	vld [tilespmem:s9+$0x42F0];
	[tilespmem:s6+$0x82B0] =	vst v5;
	v0 =	vadd.f32 v1, v0  }
0x19c: {  	p0 =	slt.u32 s7, $0x3E;
	v1 =	vld [tilespmem:s9+$0x102F0]  }
0x19d: {  	v5 =	vld [tilespmem:s9+$0x4200];
	[tilespmem:s6+$0x82C0] =	vst v0;
	v0 =	vadd.f32 v3, v2  }
0x19e: {  	v2 =	vld [tilespmem:s9+$0x10200]  }
0x19f: {  	v3 =	vld [tilespmem:s9+$0x4210];
	[tilespmem:s6+$0x82D0] =	vst v0;
	v0 =	vadd.f32 v6, v4  }
0x1a0: {  	v4 =	vld [tilespmem:s9+$0x10210]  }
0x1a1: {  	v6 =	vld [tilespmem:s9+$0x4220];
	v1 =	vadd.f32 v1, v7;
	[tilespmem:s6+$0x82E0] =	vst v0;
	s6 =	smov.u32 s9  }
0x1a2: {  	v0 =	vld [tilespmem:s6+$0x10220]  }
0x1a3: {  	v2 =	vadd.f32 v2, v5;
	v5 =	vld [tilespmem:s6+$0x4230];
	[tilespmem:s6+$0x82F0] =	vst v1  }
0x1a4: {  	v1 =	vld [tilespmem:s6+$0x10230]  }
0x1a5: {  	[tilespmem:s6+$0x8200] =	vst v2;
	v2 =	vadd.f32 v4, v3;
	v3 =	vld [tilespmem:s6+$0x4240]  }
0x1a6: {  	v4 =	vld [tilespmem:s6+$0x10240]  }
0x1a7: {  	[tilespmem:s6+$0x8210] =	vst v2;
	v0 =	vadd.f32 v0, v6;
	v2 =	vld [tilespmem:s6+$0x4250]  }
0x1a8: {  	v6 =	vld [tilespmem:s6+$0x10250]  }
0x1a9: {  	[tilespmem:s6+$0x8220] =	vst v0;
	v0 =	vadd.f32 v1, v5;
	v1 =	vld [tilespmem:s6+$0x4260]  }
0x1aa: {  	v5 =	vld [tilespmem:s6+$0x10260]  }
0x1ab: {  	[tilespmem:s6+$0x8230] =	vst v0;
	v0 =	vadd.f32 v4, v3;
	v3 =	vld [tilespmem:s6+$0x4270]  }
0x1ac: {  	v4 =	vld [tilespmem:s6+$0x10270]  }
0x1ad: {  	[tilespmem:s6+$0x8240] =	vst v0;
	v0 =	vadd.f32 v6, v2;
	v2 =	vld [tilespmem:s6+$0x4280]  }
0x1ae: {  	v6 =	vld [tilespmem:s6+$0x10280]  }
0x1af: {  	[tilespmem:s6+$0x8250] =	vst v0;
	v0 =	vadd.f32 v5, v1;
	v1 =	vld [tilespmem:s6+$0x4290]  }
0x1b0: {  	v5 =	vld [tilespmem:s6+$0x10290]  }
0x1b1: {  	[tilespmem:s6+$0x8260] =	vst v0;
	v0 =	vadd.f32 v4, v3;
	v3 =	vld [tilespmem:s6+$0x42A0]  }
0x1b2: {  	v4 =	vld [tilespmem:s6+$0x102A0]  }
0x1b3: {  	[tilespmem:s6+$0x8270] =	vst v0;
	v0 =	vadd.f32 v6, v2;
	v6 =	vld [tilespmem:s6+$0x42B0]  }
0x1b4: {  	v7 =	vld [tilespmem:s6+$0x102B0]  }
.Ltmp2:
0x1b5: {  	[tilespmem:s6+$0x8280] =	vst v0;
	v2 =	vadd.f32 v5, v1;
	v0 =	vld [tilespmem:s6+$0x42C0];
	(pc) =	sbr.rel @p0 .LBB2_6-.Ltmp2, $4  }
0x1b6: {  	v1 =	vld [tilespmem:s6+$0x102C0]  }
0x1b7: {  	[tilespmem:s6+$0x8290] =	vst v2;
	v4 =	vadd.f32 v4, v3;
	v2 =	vld [tilespmem:s6+$0x42D0]  }
0x1b8: {  	v3 =	vld [tilespmem:s6+$0x102D0]  }
0x1b9: {  	s8 =	sadd.s32 $0x400, s8;
	[tilespmem:s6+$0x82A0] =	vst v4;
	v5 =	vadd.f32 v7, v6;
	v4 =	vld [tilespmem:s6+$0x42E0]  }
0x1ba: {  	v6 =	vld [tilespmem:s6+$0x102E0];
	_ =	sdelay $0x2  }
0x1bb: {  	v0 =	vadd.f32 v1, v0  }
0x1bc: {  	[tilespmem:s6+$0x82B0] =	vst v5;
	v1 =	vadd.f32 v3, v2  }
0x1bd: {  	[tilespmem:s6+$0x82C0] =	vst v0;
	v0 =	vadd.f32 v6, v4  }
0x1be: {  	[tilespmem:s6+$0x82D0] =	vst v1  }
0x1bf: {  	[tilespmem:s6+$0x82E0] =	vst v0  }
0x1c0: {  	s25 =	simm.s32 $0x0;
	s7 =	rddreg [dreg:$0xc]  }
0x1c1: {  	[hbm4b:s7+s25] =	stream.linear.scatter [tilespmem:s3], [sflag:$0xA], $0x2000, $0x38;
	[tilespmem:$0x18200] =	vst v63  }
0x1c2: {  	_ =	swait.ge [sflag:s26], $0x2000  }
0x1c3: {  	[sflag:s26] =	ssyncset.done $0x0  }
0x1c4: {  	[sflag:s26] =	ssyncadd.s32 $0xFFFFE000  }
0x1c5: {  	_ =	swait.ge [sflag:s29], $0x2000  }
0x1c6: {  	[sflag:s29] =	ssyncset.done $0x0  }
0x1c7: {  	s6 =	simm.s32 $0x0;
	[sflag:s29] =	ssyncadd.s32 $0xFFFFE000  }
0x1c8: {  	v0 =	vld [tilespmem:s6+$0x6200]  }
0x1c9: {  	v1 =	vld [tilespmem:s6+$0x12200]  }
0x1ca: {  	v2 =	vld [tilespmem:s6+$0x6210]  }
0x1cb: {  	v3 =	vld [tilespmem:s6+$0x12210]  }
0x1cc: {  	v4 =	vld [tilespmem:s6+$0x6220]  }
0x1cd: {  	v5 =	vld [tilespmem:s6+$0x12220]  }
0x1ce: {  	v6 =	vld [tilespmem:s6+$0x12230]  }
0x1cf: {  	v7 =	vld [tilespmem:s6+$0x62F0]  }
0x1d0: {  	v8 =	vld [tilespmem:s6+$0x122F0]  }
0x1d1: {  	v63 =	vld [tilespmem:s6+$0x6270];
	v0 =	vadd.f32 v1, v0  }
0x1d2: {  	v1 =	vld [tilespmem:s6+$0x6230]  }
0x1d3: {  	[tilespmem:s6+$0xA200] =	vst v0;
	v0 =	vadd.f32 v3, v2;
	v2 =	vld [tilespmem:s6+$0x6240]  }
0x1d4: {  	v3 =	vld [tilespmem:s6+$0x12240]  }
0x1d5: {  	[tilespmem:s6+$0xA210] =	vst v0;
	v0 =	vadd.f32 v5, v4;
	v4 =	vld [tilespmem:s6+$0x6250]  }
0x1d6: {  	v5 =	vld [tilespmem:s6+$0x12250]  }
0x1d7: {  	[tilespmem:s6+$0xA220] =	vst v0;
	v0 =	vadd.f32 v6, v1;
	v6 =	vld [tilespmem:s6+$0x6260]  }
0x1d8: {  	v1 =	vadd.f32 v8, v7;
	v7 =	vld [tilespmem:s6+$0x12260]  }
0x1d9: {  	[tilespmem:s6+$0xA230] =	vst v0;
	v0 =	vld [tilespmem:s6+$0x6280]  }
0x1da: {  	[tilespmem:s6+$0xA2F0] =	vst v1;
	v1 =	vld [tilespmem:s6+$0x12280]  }
0x1db: {  	v9 =	vld [tilespmem:s6+$0x6290]  }
0x1dc: {  	v10 =	vld [tilespmem:s6+$0x12290]  }
0x1dd: {  	v11 =	vld [tilespmem:s6+$0x62A0]  }
0x1de: {  	v12 =	vld [tilespmem:s6+$0x122A0];
	v4 =	vadd.f32 v5, v4;
	v5 =	vadd.f32 v7, v6  }
0x1df: {  	v0 =	vadd.f32 v1, v0;
	v1 =	vadd.f32 v3, v2;
	v3 =	vld [tilespmem:s6+$0x12270]  }
0x1e0: {  	v13 =	vld [tilespmem:s6+$0x62B0];
	[tilespmem:s6+$0xA250] =	vst v4  }
0x1e1: {  	v14 =	vld [tilespmem:s6+$0x122B0];
	[tilespmem:s6+$0xA260] =	vst v5  }
0x1e2: {  	v2 =	vadd.f32 v10, v9;
	[tilespmem:s6+$0xA280] =	vst v0;
	v0 =	vld [tilespmem:s6+$0x62C0]  }
0x1e3: {  	v4 =	vadd.f32 v12, v11;
	[tilespmem:s6+$0xA240] =	vst v1;
	v1 =	vld [tilespmem:s6+$0x122C0]  }
0x1e4: {  	[tilespmem:s6+$0xA290] =	vst v2;
	v2 =	vld [tilespmem:s6+$0x62D0];
	v5 =	vadd.f32 v3, v63  }
0x1e5: {  	[tilespmem:s6+$0xA2A0] =	vst v4;
	v3 =	vld [tilespmem:s6+$0x122D0]  }
0x1e6: {  	s8 =	simm.s32 $0x400;
	s7 =	simm.s32 $0x0;
	v4 =	vld [tilespmem:s6+$0x62E0];
	[tilespmem:s6+$0xA270] =	vst v5;
	v5 =	vadd.f32 v14, v13  }
.LBB2_8:
0x1e7: {  	s9 =	sshra.s32 s8, $0x2;
	v6 =	vld [tilespmem:s6+$0x122E0]  }
0x1e8: {  	s7 =	sadd.s32 $0x2, s7;
	v7 =	vld [tilespmem:s9+$0x62F0];
	[tilespmem:s6+$0xA2B0] =	vst v5;
	v0 =	vadd.f32 v1, v0  }
0x1e9: {  	p0 =	slt.u32 s7, $0x3E;
	v1 =	vld [tilespmem:s9+$0x122F0]  }
0x1ea: {  	v5 =	vld [tilespmem:s9+$0x6200];
	[tilespmem:s6+$0xA2C0] =	vst v0;
	v0 =	vadd.f32 v3, v2  }
0x1eb: {  	v2 =	vld [tilespmem:s9+$0x12200]  }
0x1ec: {  	v3 =	vld [tilespmem:s9+$0x6210];
	[tilespmem:s6+$0xA2D0] =	vst v0;
	v0 =	vadd.f32 v6, v4  }
0x1ed: {  	v4 =	vld [tilespmem:s9+$0x12210]  }
0x1ee: {  	v6 =	vld [tilespmem:s9+$0x6220];
	v1 =	vadd.f32 v1, v7;
	[tilespmem:s6+$0xA2E0] =	vst v0;
	s6 =	smov.u32 s9  }
0x1ef: {  	v0 =	vld [tilespmem:s6+$0x12220]  }
0x1f0: {  	v2 =	vadd.f32 v2, v5;
	v5 =	vld [tilespmem:s6+$0x6230];
	[tilespmem:s6+$0xA2F0] =	vst v1  }
0x1f1: {  	v1 =	vld [tilespmem:s6+$0x12230]  }
0x1f2: {  	[tilespmem:s6+$0xA200] =	vst v2;
	v2 =	vadd.f32 v4, v3;
	v3 =	vld [tilespmem:s6+$0x6240]  }
0x1f3: {  	v4 =	vld [tilespmem:s6+$0x12240]  }
0x1f4: {  	[tilespmem:s6+$0xA210] =	vst v2;
	v0 =	vadd.f32 v0, v6;
	v2 =	vld [tilespmem:s6+$0x6250]  }
0x1f5: {  	v6 =	vld [tilespmem:s6+$0x12250]  }
0x1f6: {  	[tilespmem:s6+$0xA220] =	vst v0;
	v0 =	vadd.f32 v1, v5;
	v1 =	vld [tilespmem:s6+$0x6260]  }
0x1f7: {  	v5 =	vld [tilespmem:s6+$0x12260]  }
0x1f8: {  	[tilespmem:s6+$0xA230] =	vst v0;
	v0 =	vadd.f32 v4, v3;
	v3 =	vld [tilespmem:s6+$0x6270]  }
0x1f9: {  	v4 =	vld [tilespmem:s6+$0x12270]  }
0x1fa: {  	[tilespmem:s6+$0xA240] =	vst v0;
	v0 =	vadd.f32 v6, v2;
	v2 =	vld [tilespmem:s6+$0x6280]  }
0x1fb: {  	v6 =	vld [tilespmem:s6+$0x12280]  }
0x1fc: {  	[tilespmem:s6+$0xA250] =	vst v0;
	v0 =	vadd.f32 v5, v1;
	v1 =	vld [tilespmem:s6+$0x6290]  }
0x1fd: {  	v5 =	vld [tilespmem:s6+$0x12290]  }
0x1fe: {  	[tilespmem:s6+$0xA260] =	vst v0;
	v0 =	vadd.f32 v4, v3;
	v3 =	vld [tilespmem:s6+$0x62A0]  }
0x1ff: {  	v4 =	vld [tilespmem:s6+$0x122A0]  }
0x200: {  	[tilespmem:s6+$0xA270] =	vst v0;
	v0 =	vadd.f32 v6, v2;
	v6 =	vld [tilespmem:s6+$0x62B0]  }
0x201: {  	v7 =	vld [tilespmem:s6+$0x122B0]  }
.Ltmp3:
0x202: {  	[tilespmem:s6+$0xA280] =	vst v0;
	v2 =	vadd.f32 v5, v1;
	v0 =	vld [tilespmem:s6+$0x62C0];
	(pc) =	sbr.rel @p0 .LBB2_8-.Ltmp3, $4  }
0x203: {  	v1 =	vld [tilespmem:s6+$0x122C0]  }
0x204: {  	[tilespmem:s6+$0xA290] =	vst v2;
	v4 =	vadd.f32 v4, v3;
	v2 =	vld [tilespmem:s6+$0x62D0]  }
0x205: {  	v3 =	vld [tilespmem:s6+$0x122D0]  }
0x206: {  	s8 =	sadd.s32 $0x400, s8;
	[tilespmem:s6+$0xA2A0] =	vst v4;
	v5 =	vadd.f32 v7, v6;
	v4 =	vld [tilespmem:s6+$0x62E0]  }
0x207: {  	v6 =	vld [tilespmem:s6+$0x122E0];
	_ =	sdelay $0x2  }
0x208: {  	v0 =	vadd.f32 v1, v0  }
0x209: {  	[tilespmem:s6+$0xA2B0] =	vst v5;
	v62 =	vadd.f32 v3, v2  }
0x20a: {  	[tilespmem:s6+$0xA2C0] =	vst v0;
	v63 =	vadd.f32 v6, v4  }
0x20b: {  	[tilespmem:s6+$0xA2D0] =	vst v62  }
0x20c: {  	[tilespmem:s6+$0xA2E0] =	vst v63  }
0x20d: {  	s6 =	rddreg [dreg:$0xd]  }
0x20e: {  	[hbm4b:s6+s5] =	stream.linear.scatter [tilespmem:s21], [sflag:$0xB], $0x2000, $0x38;
	[tilespmem:$0x18200] =	vst v63  }
0x20f: {  	_ =	swait.ge [sflag:s24], $0x2000  }
0x210: {  	[sflag:s24] =	ssyncset.done $0x0  }
0x211: {  	[sflag:s24] =	ssyncadd.s32 $0xFFFFE000  }
0x212: {  	_ =	swait.ge [sflag:s29], $0x2000  }
0x213: {  	s30 =	sadd.s32 $0x1, s30;
	s25 =	rddreg [dreg:$0xe]  }
0x214: {  	p0 =	sne.s32 s30, s25  }
.Ltmp4:
0x215: {  	_ = 	snop;
	(pc) =	sbr.rel @p0 .LBB2_1-.Ltmp4, $3  }
0x216: {  	_ =	sdelay $0x1  }
0x217: {  	[sflag:s29] =	ssyncset.done $0x0  }
0x218: {  	[sflag:s29] =	ssyncadd.s32 $0xFFFFE000  }
0x219: {  	_ =	sfence.sel $0x180000  }
0x21a: {  	[bflag:$0x0] =	sbarrier.arrive $0xFFFF  }
0x21b: {  	_ =	strace $0x90000047  }
0x21c: {  	s0 =	stileid.u32;
	[bflag:$0x2] =	sbarrier.arrive $0xFFFF  }
0x21d: {  	p0 =	sne.s32 s0, $0x0;
	s0 =	rddreg [dreg:$0x6]  }
0x21e: {  	s0 =	sadd.s32 @!p0 $0x100000, s0  }
0x21f: {  	[sflag:s0] =	ssyncadd.tile.s32 @!p0 $0x1;
	_ =	shalt  }
.Lfunc_end2:
_tile_overlayer_lowered:
.L_overlay_start_2:
0x220: {  	(tag) =	ssettag $0x2  }
0x221: {  	s0 =	rddreg [dreg:$0x0];
	s2 =	stileid.u32  }
0x222: {  	s1 =	rddreg [dreg:$0x1];
	p0 =	sne.s32 s2, $0x0  }
0x223: {  	s3 =	rddreg [dreg:$0x2];
	[bflag:$0x3] =	sbarrier.arrive $0xFFFF;
	s2 =	simm.s32 @!p0 $0x1C0C  }
0x224: {  	[timem:s3], [sflag:s2] =	dma.local @!p0 [hbm:s0], s1  }
0x225: {  	s0 =	simm.s32 @!p0 $0xC  }
0x226: {  	_ =	swait.ge @!p0 [sflag:s0], s1  }
0x227: {  	s1 =	ssub.s32 @!p0 $0x0, s1;
	[sflag:s0] =	ssyncset.done @!p0 $0x0  }
0x228: {  	[sflag:s0] =	ssyncadd.s32 @!p0 s1  }
0x229: {  	[bflag:$0x3] =	sbarrier.arrive $0xFFFF  }
0x22a: {  	_ =	shalt  }

</sc_bundles>
